<compile_context>
chip_gen: v7x
topology: tpu7x:2x2x1
jax: 0.10.2.dev20260603
libtpu: 0.0.44.dev20260713+nightly
codegen_flags: <defaults>
</compile_context>

<pallas_src>
import functools

import jax
import jax.numpy as jnp
from jax import lax
from jax.experimental import pallas as pl
from jax.experimental.pallas import tpu as pltpu
from jax.experimental.pallas import tpu_sc as plsc

N_NODES = 10000
N_EDGES = 320000
D = 128
DH = D // 2

NC = 2
NS = 16

EPT = N_EDGES // NS
CHUNK = 125
NCHUNK = EPT // CHUNK
NQ = NCHUNK // 4

N_PAD = 10240
ROWS_PER_SUB = N_PAD // NS
ZROWS = 128
NZCOPY = ROWS_PER_SUB // ZROWS


def _sc_scatter(nh2, src_idx, dst_idx):
  mesh = plsc.VectorSubcoreMesh(core_axis_name="c", subcore_axis_name="s")

  @functools.partial(
      pl.kernel,
      out_type=jax.ShapeDtypeStruct((N_PAD, D), jnp.float32),
      name="gin_segment_sum",
      mesh=mesh,
      scratch_types=[
          pltpu.VMEM((NCHUNK, CHUNK), jnp.int32),
          pltpu.VMEM((NCHUNK, CHUNK), jnp.int32),
          [pltpu.VMEM((CHUNK, DH), jnp.float32)] * 4,
          pltpu.VMEM((ZROWS, DH), jnp.float32),
          pltpu.VMEM_SHARED((N_PAD, DH), jnp.float32),
          [pltpu.SemaphoreType.DMA] * 4,
          [pltpu.SemaphoreType.DMA] * 4,
      ],
      compiler_params=pltpu.CompilerParams(use_tc_tiling_on_sc=False),
  )
  def k(nh_hbm, src_hbm, dst_hbm, out_hbm, src_v, dst_v, rows, stage_v,
        acc, gsem, ssem):
    cid = lax.axis_index("c")
    sid = lax.axis_index("s")
    base = sid * ROWS_PER_SUB

    idx_a = pltpu.async_copy(src_hbm.at[sid], src_v, gsem[0])
    idx_b = pltpu.async_copy(dst_hbm.at[sid], dst_v, gsem[1])

    zeros16 = jnp.zeros((16,), jnp.float32)

    def zrow(i, carry):
      for j in range(DH // 16):
        stage_v[i, pl.ds(j * 16, 16)] = zeros16
      return carry

    lax.fori_loop(0, ZROWS, zrow, 0)

    def zcopy(c, carry):
      pltpu.sync_copy(stage_v, acc.at[pl.ds(base + c * ZROWS, ZROWS)])
      return carry

    lax.fori_loop(0, NZCOPY, zcopy, 0)
    idx_a.wait()
    idx_b.wait()
    plsc.subcore_barrier()

    table = nh_hbm.at[pl.ds(cid, 2 * N_NODES - 1)]

    def gather(j, b):
      return pltpu.async_copy(table.at[src_v.at[j]], rows[b], gsem[b])

    def scatter(j, b):
      return pltpu.async_copy(rows[b], acc.at[dst_v.at[j]], ssem[b], add=True)

    def wait_gather(j, b):
      pltpu.make_async_copy(table.at[src_v.at[j]], rows[b], gsem[b]).wait()

    def wait_scatter(j, b):
      pltpu.make_async_copy(rows[b], acc.at[dst_v.at[j]], ssem[b]).wait()

    gather(0, 0)
    gather(1, 1)

    def body(g, carry):
      j0 = 4 * g
      for b in range(4):
        j = j0 + b
        p = (b + 2) % 4
        wait_gather(j, b)
        scatter(j, b)
        if b < 2:
          @pl.when(g >= 1)
          def _():
            wait_scatter(j - 2, p)

          gather(j + 2, p)
        else:
          wait_scatter(j - 2, p)

          @pl.when(g < NQ - 1)
          def _():
            gather(j + 2, p)
      return carry

    lax.fori_loop(0, NQ, body, 0)
    wait_scatter(NCHUNK - 2, 2)
    wait_scatter(NCHUNK - 1, 3)
    plsc.subcore_barrier()

    def ocopy(c, carry):
      pltpu.sync_copy(acc.at[pl.ds(base + c * ZROWS, ZROWS)], stage_v)
      pltpu.sync_copy(
          stage_v,
          out_hbm.at[pl.ds(base + c * ZROWS, ZROWS), pl.ds(cid * DH, DH)])
      return carry

    lax.fori_loop(0, NZCOPY, ocopy, 0)

  return k(nh2, src_idx, dst_idx)


def _tc_mlp(nh, parts, W1, b1, W2, b2, eps):
  BLK = 1000
  grid = (N_NODES // BLK,)

  def body(eps_ref, nh_ref, p_ref, w1_ref, b1_ref, w2_ref, b2_ref, out_ref):
    scale = 1.0 + eps_ref[0]
    x = scale * nh_ref[...] + p_ref[...]
    h = jnp.maximum(
        jnp.dot(x, w1_ref[...], preferred_element_type=jnp.float32)
        + b1_ref[...], 0.0)
    out_ref[...] = (
        jnp.dot(h, w2_ref[...], preferred_element_type=jnp.float32)
        + b2_ref[...])

  return pl.pallas_call(
      body,
      grid=grid,
      in_specs=[
          pl.BlockSpec(memory_space=pltpu.SMEM),
          pl.BlockSpec((BLK, D), lambda i: (i, 0)),
          pl.BlockSpec((BLK, D), lambda i: (i, 0)),
          pl.BlockSpec((D, D), lambda i: (0, 0)),
          pl.BlockSpec((1, D), lambda i: (0, 0)),
          pl.BlockSpec((D, D), lambda i: (0, 0)),
          pl.BlockSpec((1, D), lambda i: (0, 0)),
      ],
      out_specs=pl.BlockSpec((BLK, D), lambda i: (i, 0)),
      out_shape=jax.ShapeDtypeStruct((N_NODES, D), jnp.float32),
  )(eps, nh, parts, W1, b1.reshape(1, D), W2, b2.reshape(1, D))


@jax.jit
def _gin(nh, edge_index, W1, b1, W2, b2, eps):
  ei = edge_index.astype(jnp.int32)
  src2 = (ei[0] * 2).reshape(NS, NCHUNK, CHUNK)
  dst = ei[1].reshape(NS, NCHUNK, CHUNK)
  nh2 = nh.reshape(2 * N_NODES, DH)
  parts = _sc_scatter(nh2, src2, dst)
  return _tc_mlp(nh, parts, W1, b1, W2, b2, eps)


def kernel(nh, eh, edge_index, W1, b1, W2, b2, eps):
  return (_gin(nh, edge_index, W1, b1, W2, b2, eps), eh)

# --- scband reference (transcript-rebuilt; emitter-appended) ---
"""Pipeline reference for scband-ginlayer-6665789243400 (READ-ONLY COPY).

The authoritative reference and input builder live on the scoring server;
editing this copy changes nothing except your own understanding.
"""

import jax, jax.numpy as jnp
import numpy as np

N_NODES = 10000
N_EDGES = 320000
D_FEAT = 128
D_EDGE = 16
HIDDEN = 128
OUT = 128


def setup_inputs(seed: int = 0) -> dict:
    key = jax.random.key(seed)
    k1, k2, k3, k4, k5, k6, k7 = jax.random.split(key, 7)
    nh = jax.random.normal(k1, (N_NODES, D_FEAT), dtype=jnp.float32)
    eh = jax.random.normal(k2, (N_EDGES, D_EDGE), dtype=jnp.float32)
    edge_index = jax.random.randint(k3, (2, N_EDGES), 0, N_NODES, dtype=jnp.int64)
    # MLP params (build_layer: Linear(input,hidden) -> relu -> Linear(hidden,out))
    W1 = jax.random.normal(k4, (D_FEAT, HIDDEN), dtype=jnp.float32) * (1.0 / np.sqrt(D_FEAT))
    b1 = jnp.zeros((HIDDEN,), dtype=jnp.float32)
    W2 = jax.random.normal(k5, (HIDDEN, OUT), dtype=jnp.float32) * (1.0 / np.sqrt(HIDDEN))
    b2 = jnp.zeros((OUT,), dtype=jnp.float32)
    eps = jnp.zeros((1,), dtype=jnp.float32)
    return {"nh": nh, "eh": eh, "edge_index": edge_index, "W1": W1, "b1": b1, "W2": W2, "b2": b2, "eps": eps}


def reference(nh, eh, edge_index, W1, b1, W2, b2, eps):
    src = edge_index[0]
    dst = edge_index[1]
    # gather source node features (message = src_nh)
    msg = jnp.take(nh, src, axis=0)
    # scatter-add messages to destination nodes
    nz = jax.ops.segment_sum(msg, dst, num_segments=nh.shape[0])
    # GIN update
    n_h = (1.0 + eps) * nh + nz
    # MLP (layer_num=2): Linear -> relu -> Linear; dropout=0.0 is identity
    h = jnp.maximum(n_h @ W1 + b1, 0.0)
    n_out = h @ W2 + b2
    return (n_out, eh)

if __name__ == "__main__":
    import jax
    _d = setup_inputs()
    print(jax.jit(kernel)(*tuple(_d.values())))

</pallas_src>

<mosaic_0001>
#map = affine_map<(d0, d1) -> (0, 0)>
#map1 = affine_map<(d0, d1) -> (0, 0, 0)>
module attributes {stable_mosaic.version = 14 : i64} {
  func.func @gin_segment_sum(%arg0: i32, %arg1: i32, %arg2: memref<20000x64xf32, #tpu.memory_space<hbm>>, %arg3: memref<16x160x125xi32, #tpu.memory_space<hbm>>, %arg4: memref<16x160x125xi32, #tpu.memory_space<hbm>>, %arg5: memref<10240x128xf32, #tpu.memory_space<hbm>>, %arg6: memref<160x125xi32, #tpu.memory_space<vmem>>, %arg7: memref<160x125xi32, #tpu.memory_space<vmem>>, %arg8: memref<125x64xf32, #tpu.memory_space<vmem>>, %arg9: memref<125x64xf32, #tpu.memory_space<vmem>>, %arg10: memref<125x64xf32, #tpu.memory_space<vmem>>, %arg11: memref<125x64xf32, #tpu.memory_space<vmem>>, %arg12: memref<128x64xf32, #tpu.memory_space<vmem>>, %arg13: memref<10240x64xf32, #tpu.memory_space<vmem_shared>>, %arg14: memref<!tpu.dma_semaphore, #tpu.memory_space<semaphore_mem>>, %arg15: memref<!tpu.dma_semaphore, #tpu.memory_space<semaphore_mem>>, %arg16: memref<!tpu.dma_semaphore, #tpu.memory_space<semaphore_mem>>, %arg17: memref<!tpu.dma_semaphore, #tpu.memory_space<semaphore_mem>>, %arg18: memref<!tpu.dma_semaphore, #tpu.memory_space<semaphore_mem>>, %arg19: memref<!tpu.dma_semaphore, #tpu.memory_space<semaphore_mem>>, %arg20: memref<!tpu.dma_semaphore, #tpu.memory_space<semaphore_mem>>, %arg21: memref<!tpu.dma_semaphore, #tpu.memory_space<semaphore_mem>>) attributes {dimension_semantics = [#tpu.dimension_semantics<core_parallel>, #tpu.dimension_semantics<subcore_parallel>], iteration_bounds = array<i64: 2, 16>, scalar_prefetch = 0 : i64, scratch_operands = 16 : i64, tpu.core_type = #tpu.core_type<sc_vector_subcore>, window_params = [{transform_indices = #map}, {transform_indices = #map1}, {transform_indices = #map1}, {transform_indices = #map}]} {
    %mul3A = arith.constant 640 : i32
    %mul3A_0 = arith.muli %arg1, %mul3A : i32
    %dma_start3A = arith.constant 0 : i32
    %dma_start3A_1 = arith.constant 0 : i32
    %dma_start3A_2 = tpu.memref_slice %arg3[%arg1, %dma_start3A, %dma_start3A_1] : memref<16x160x125xi32, #tpu.memory_space<hbm>> -> memref<1x160x125xi32, #tpu.memory_space<hbm>>
    %dma_start3A_3 = tpu.memref_squeeze %dma_start3A_2 : memref<1x160x125xi32, #tpu.memory_space<hbm>> -> memref<160x125xi32, #tpu.memory_space<hbm>>
    %dma_start3A_4 = arith.constant 0 : i32
    %dma_start3A_5 = arith.constant 0 : i32
    %dma_start3A_6 = tpu.memref_slice %arg3[%arg1, %dma_start3A_4, %dma_start3A_5] : memref<16x160x125xi32, #tpu.memory_space<hbm>> -> memref<1x160x125xi32, #tpu.memory_space<hbm>>
    %dma_start3A_7 = tpu.memref_squeeze %dma_start3A_6 : memref<1x160x125xi32, #tpu.memory_space<hbm>> -> memref<160x125xi32, #tpu.memory_space<hbm>>
    tpu.enqueue_dma source(%dma_start3A_7 : memref<160x125xi32, #tpu.memory_space<hbm>>) target(%arg6 : memref<160x125xi32, #tpu.memory_space<vmem>>) target_semaphore(%arg14 : memref<!tpu.dma_semaphore, #tpu.memory_space<semaphore_mem>>)
    %dma_start3A_8 = arith.constant 0 : i32
    %dma_start3A_9 = arith.constant 0 : i32
    %dma_start3A_10 = tpu.memref_slice %arg4[%arg1, %dma_start3A_8, %dma_start3A_9] : memref<16x160x125xi32, #tpu.memory_space<hbm>> -> memref<1x160x125xi32, #tpu.memory_space<hbm>>
    %dma_start3A_11 = tpu.memref_squeeze %dma_start3A_10 : memref<1x160x125xi32, #tpu.memory_space<hbm>> -> memref<160x125xi32, #tpu.memory_space<hbm>>
    %dma_start3A_12 = arith.constant 0 : i32
    %dma_start3A_13 = arith.constant 0 : i32
    %dma_start3A_14 = tpu.memref_slice %arg4[%arg1, %dma_start3A_12, %dma_start3A_13] : memref<16x160x125xi32, #tpu.memory_space<hbm>> -> memref<1x160x125xi32, #tpu.memory_space<hbm>>
    %dma_start3A_15 = tpu.memref_squeeze %dma_start3A_14 : memref<1x160x125xi32, #tpu.memory_space<hbm>> -> memref<160x125xi32, #tpu.memory_space<hbm>>
    tpu.enqueue_dma source(%dma_start3A_15 : memref<160x125xi32, #tpu.memory_space<hbm>>) target(%arg7 : memref<160x125xi32, #tpu.memory_space<vmem>>) target_semaphore(%arg15 : memref<!tpu.dma_semaphore, #tpu.memory_space<semaphore_mem>>)
    %broadcast_in_dim3A = arith.constant 0.000000e+00 : f32
    %broadcast_in_dim3A_16 = vector.broadcast %broadcast_in_dim3A : f32 to vector<16xf32>
    %scan3A = arith.constant 0 : i32
    %scan3A_17 = arith.constant 0 : i32
    %scan3A_18 = arith.constant 128 : i32
    %scan3A_19 = arith.addi %scan3A_17, %scan3A_18 : i32
    %scan3A_20 = arith.constant 1 : i32
    scf.for %scan3A_88 = %scan3A_17 to %scan3A_19 step %scan3A_20  : i32 {
      %swap3A = arith.index_cast %scan3A_88 : i32 to index
      %swap3A_89 = arith.constant 0 : index
      %swap3A_90 = tpu.vector_load %arg12[%swap3A, %swap3A_89] {strides = array<i32>} : memref<128x64xf32, #tpu.memory_space<vmem>>, vector<1x16xf32>,
      %swap3A_91 = vector.shape_cast %swap3A_90 : vector<1x16xf32> to vector<16xf32>
      %swap3A_92 = vector.shape_cast %broadcast_in_dim3A_16 : vector<16xf32> to vector<1x16xf32>
      tpu.vector_store %arg12[%swap3A, %swap3A_89], %swap3A_92 {strides = array<i32>} : memref<128x64xf32, #tpu.memory_space<vmem>>, vector<1x16xf32>,
      %swap3A_93 = arith.index_cast %scan3A_88 : i32 to index
      %swap3A_94 = arith.constant 16 : index
      %swap3A_95 = tpu.vector_load %arg12[%swap3A_93, %swap3A_94] {strides = array<i32>} : memref<128x64xf32, #tpu.memory_space<vmem>>, vector<1x16xf32>,
      %swap3A_96 = vector.shape_cast %swap3A_95 : vector<1x16xf32> to vector<16xf32>
      %swap3A_97 = vector.shape_cast %broadcast_in_dim3A_16 : vector<16xf32> to vector<1x16xf32>
      tpu.vector_store %arg12[%swap3A_93, %swap3A_94], %swap3A_97 {strides = array<i32>} : memref<128x64xf32, #tpu.memory_space<vmem>>, vector<1x16xf32>,
      %swap3A_98 = arith.index_cast %scan3A_88 : i32 to index
      %swap3A_99 = arith.constant 32 : index
      %swap3A_100 = tpu.vector_load %arg12[%swap3A_98, %swap3A_99] {strides = array<i32>} : memref<128x64xf32, #tpu.memory_space<vmem>>, vector<1x16xf32>,
      %swap3A_101 = vector.shape_cast %swap3A_100 : vector<1x16xf32> to vector<16xf32>
      %swap3A_102 = vector.shape_cast %broadcast_in_dim3A_16 : vector<16xf32> to vector<1x16xf32>
      tpu.vector_store %arg12[%swap3A_98, %swap3A_99], %swap3A_102 {strides = array<i32>} : memref<128x64xf32, #tpu.memory_space<vmem>>, vector<1x16xf32>,
      %swap3A_103 = arith.index_cast %scan3A_88 : i32 to index
      %swap3A_104 = arith.constant 48 : index
      %swap3A_105 = tpu.vector_load %arg12[%swap3A_103, %swap3A_104] {strides = array<i32>} : memref<128x64xf32, #tpu.memory_space<vmem>>, vector<1x16xf32>,
      %swap3A_106 = vector.shape_cast %swap3A_105 : vector<1x16xf32> to vector<16xf32>
      %swap3A_107 = vector.shape_cast %broadcast_in_dim3A_16 : vector<16xf32> to vector<1x16xf32>
      tpu.vector_store %arg12[%swap3A_103, %swap3A_104], %swap3A_107 {strides = array<i32>} : memref<128x64xf32, #tpu.memory_space<vmem>>, vector<1x16xf32>,
    }
    %scan3A_21 = arith.constant 128 : i32
    %scan3A_22 = arith.constant 0 : i32
    %scan3A_23 = arith.constant 0 : i32
    %scan3A_24 = arith.constant 5 : i32
    %scan3A_25 = arith.addi %scan3A_23, %scan3A_24 : i32
    %scan3A_26 = arith.constant 1 : i32
    scf.for %scan3A_88 = %scan3A_23 to %scan3A_25 step %scan3A_26  : i32 {
      %mul3A_89 = arith.constant 128 : i32
      %mul3A_90 = arith.muli %scan3A_88, %mul3A_89 : i32
      %add3A = arith.addi %mul3A_0, %mul3A_90 : i32
      "tpu.region"() ({
        %run_scoped3A = tpu.sem_alloc : memref<!tpu.dma_semaphore, #tpu.memory_space<semaphore_mem>>
        %dma_start3A_91 = arith.constant 0 : i32
        %dma_start3A_92 = tpu.memref_slice %arg13[%add3A, %dma_start3A_91] : memref<10240x64xf32, #tpu.memory_space<vmem_shared>> -> memref<128x64xf32, #tpu.memory_space<vmem_shared>>
        %dma_start3A_93 = arith.constant 0 : i32
        %dma_start3A_94 = tpu.memref_slice %arg13[%add3A, %dma_start3A_93] : memref<10240x64xf32, #tpu.memory_space<vmem_shared>> -> memref<128x64xf32, #tpu.memory_space<vmem_shared>>
        tpu.enqueue_dma source(%arg12 : memref<128x64xf32, #tpu.memory_space<vmem>>) target(%dma_start3A_94 : memref<128x64xf32, #tpu.memory_space<vmem_shared>>) target_semaphore(%run_scoped3A : memref<!tpu.dma_semaphore, #tpu.memory_space<semaphore_mem>>)
        %dma_wait3A_95 = arith.constant 0 : i32
        %dma_wait3A_96 = tpu.memref_slice %arg13[%add3A, %dma_wait3A_95] : memref<10240x64xf32, #tpu.memory_space<vmem_shared>> -> memref<128x64xf32, #tpu.memory_space<vmem_shared>>
        %dma_wait3A_97 = arith.constant 0 : i32
        %dma_wait3A_98 = tpu.memref_slice %arg13[%add3A, %dma_wait3A_97] : memref<10240x64xf32, #tpu.memory_space<vmem_shared>> -> memref<128x64xf32, #tpu.memory_space<vmem_shared>>
        tpu.wait_dma2 semaphore(%run_scoped3A : memref<!tpu.dma_semaphore, #tpu.memory_space<semaphore_mem>>) src(%arg12 : memref<128x64xf32, #tpu.memory_space<vmem>>) dst(%dma_wait3A_98 : memref<128x64xf32, #tpu.memory_space<vmem_shared>>)
        tpu.yield
      }) : () -> ()
    }
    %scan3A_27 = arith.constant 5 : i32
    %dma_wait3A = arith.constant 0 : i32
    %dma_wait3A_28 = arith.constant 0 : i32
    %dma_wait3A_29 = tpu.memref_slice %arg3[%arg1, %dma_wait3A, %dma_wait3A_28] : memref<16x160x125xi32, #tpu.memory_space<hbm>> -> memref<1x160x125xi32, #tpu.memory_space<hbm>>
    %dma_wait3A_30 = tpu.memref_squeeze %dma_wait3A_29 : memref<1x160x125xi32, #tpu.memory_space<hbm>> -> memref<160x125xi32, #tpu.memory_space<hbm>>
    %dma_wait3A_31 = arith.constant 0 : i32
    %dma_wait3A_32 = arith.constant 0 : i32
    %dma_wait3A_33 = tpu.memref_slice %arg3[%arg1, %dma_wait3A_31, %dma_wait3A_32] : memref<16x160x125xi32, #tpu.memory_space<hbm>> -> memref<1x160x125xi32, #tpu.memory_space<hbm>>
    %dma_wait3A_34 = tpu.memref_squeeze %dma_wait3A_33 : memref<1x160x125xi32, #tpu.memory_space<hbm>> -> memref<160x125xi32, #tpu.memory_space<hbm>>
    tpu.wait_dma2 semaphore(%arg14 : memref<!tpu.dma_semaphore, #tpu.memory_space<semaphore_mem>>) src(%dma_wait3A_34 : memref<160x125xi32, #tpu.memory_space<hbm>>) dst(%arg6 : memref<160x125xi32, #tpu.memory_space<vmem>>)
    %dma_wait3A_35 = arith.constant 0 : i32
    %dma_wait3A_36 = arith.constant 0 : i32
    %dma_wait3A_37 = tpu.memref_slice %arg4[%arg1, %dma_wait3A_35, %dma_wait3A_36] : memref<16x160x125xi32, #tpu.memory_space<hbm>> -> memref<1x160x125xi32, #tpu.memory_space<hbm>>
    %dma_wait3A_38 = tpu.memref_squeeze %dma_wait3A_37 : memref<1x160x125xi32, #tpu.memory_space<hbm>> -> memref<160x125xi32, #tpu.memory_space<hbm>>
    %dma_wait3A_39 = arith.constant 0 : i32
    %dma_wait3A_40 = arith.constant 0 : i32
    %dma_wait3A_41 = tpu.memref_slice %arg4[%arg1, %dma_wait3A_39, %dma_wait3A_40] : memref<16x160x125xi32, #tpu.memory_space<hbm>> -> memref<1x160x125xi32, #tpu.memory_space<hbm>>
    %dma_wait3A_42 = tpu.memref_squeeze %dma_wait3A_41 : memref<1x160x125xi32, #tpu.memory_space<hbm>> -> memref<160x125xi32, #tpu.memory_space<hbm>>
    tpu.wait_dma2 semaphore(%arg15 : memref<!tpu.dma_semaphore, #tpu.memory_space<semaphore_mem>>) src(%dma_wait3A_42 : memref<160x125xi32, #tpu.memory_space<hbm>>) dst(%arg7 : memref<160x125xi32, #tpu.memory_space<vmem>>)
    %barrier3A = arith.constant 0 : index
    tpu.barrier barrier_id(%barrier3A)
    %dma_start3A_43 = arith.constant 0 : i32
    %dma_start3A_44 = arith.constant 0 : i32
    %dma_start3A_45 = tpu.memref_slice %arg6[%dma_start3A_43, %dma_start3A_44] : memref<160x125xi32, #tpu.memory_space<vmem>> -> memref<1x125xi32, #tpu.memory_space<vmem>>
    %dma_start3A_46 = tpu.memref_squeeze %dma_start3A_45 : memref<1x125xi32, #tpu.memory_space<vmem>> -> memref<125xi32, #tpu.memory_space<vmem>>
    %dma_start3A_47 = arith.constant 0 : i32
    %dma_start3A_48 = tpu.memref_slice %arg2[%arg0, %dma_start3A_47] : memref<20000x64xf32, #tpu.memory_space<hbm>> -> memref<19999x64xf32, #tpu.memory_space<hbm>>
    %dma_start3A_49 = arith.constant 0 : i32
    %dma_start3A_50 = arith.constant 0 : i32
    %dma_start3A_51 = tpu.memref_slice %dma_start3A_48[%dma_start3A_49, %dma_start3A_50] : memref<19999x64xf32, #tpu.memory_space<hbm>> -> memref<19999x64xf32, #tpu.memory_space<hbm>>
    tpu.enqueue_indirect_dma source(%dma_start3A_51 : memref<19999x64xf32, #tpu.memory_space<hbm>>) target(%arg8 : memref<125x64xf32, #tpu.memory_space<vmem>>) offsets(%dma_start3A_46 : memref<125xi32, #tpu.memory_space<vmem>>) semaphore(%arg14 : memref<!tpu.dma_semaphore, #tpu.memory_space<semaphore_mem>>)
    %dma_start3A_52 = arith.constant 1 : i32
    %dma_start3A_53 = arith.constant 0 : i32
    %dma_start3A_54 = tpu.memref_slice %arg6[%dma_start3A_52, %dma_start3A_53] : memref<160x125xi32, #tpu.memory_space<vmem>> -> memref<1x125xi32, #tpu.memory_space<vmem>>
    %dma_start3A_55 = tpu.memref_squeeze %dma_start3A_54 : memref<1x125xi32, #tpu.memory_space<vmem>> -> memref<125xi32, #tpu.memory_space<vmem>>
    %dma_start3A_56 = arith.constant 0 : i32
    %dma_start3A_57 = tpu.memref_slice %arg2[%arg0, %dma_start3A_56] : memref<20000x64xf32, #tpu.memory_space<hbm>> -> memref<19999x64xf32, #tpu.memory_space<hbm>>
    %dma_start3A_58 = arith.constant 0 : i32
    %dma_start3A_59 = arith.constant 0 : i32
    %dma_start3A_60 = tpu.memref_slice %dma_start3A_57[%dma_start3A_58, %dma_start3A_59] : memref<19999x64xf32, #tpu.memory_space<hbm>> -> memref<19999x64xf32, #tpu.memory_space<hbm>>
    tpu.enqueue_indirect_dma source(%dma_start3A_60 : memref<19999x64xf32, #tpu.memory_space<hbm>>) target(%arg9 : memref<125x64xf32, #tpu.memory_space<vmem>>) offsets(%dma_start3A_55 : memref<125xi32, #tpu.memory_space<vmem>>) semaphore(%arg15 : memref<!tpu.dma_semaphore, #tpu.memory_space<semaphore_mem>>)
    %scan3A_61 = arith.constant 0 : i32
    %scan3A_62 = arith.constant 0 : i32
    %scan3A_63 = arith.constant 40 : i32
    %scan3A_64 = arith.addi %scan3A_62, %scan3A_63 : i32
    %scan3A_65 = arith.constant 1 : i32
    scf.for %scan3A_88 = %scan3A_62 to %scan3A_64 step %scan3A_65  : i32 {
      %mul3A_89 = arith.constant 4 : i32
      %mul3A_90 = arith.muli %mul3A_89, %scan3A_88 : i32
      %add3A = arith.constant 0 : i32
      %add3A_91 = arith.addi %mul3A_90, %add3A : i32
      %dma_wait3A_92 = arith.constant 0 : i32
      %dma_wait3A_93 = tpu.memref_slice %arg6[%add3A_91, %dma_wait3A_92] : memref<160x125xi32, #tpu.memory_space<vmem>> -> memref<1x125xi32, #tpu.memory_space<vmem>>
      %dma_wait3A_94 = tpu.memref_squeeze %dma_wait3A_93 : memref<1x125xi32, #tpu.memory_space<vmem>> -> memref<125xi32, #tpu.memory_space<vmem>>
      %dma_wait3A_95 = arith.constant 0 : i32
      %dma_wait3A_96 = tpu.memref_slice %arg2[%arg0, %dma_wait3A_95] : memref<20000x64xf32, #tpu.memory_space<hbm>> -> memref<19999x64xf32, #tpu.memory_space<hbm>>
      %dma_wait3A_97 = arith.constant 0 : i32
      %dma_wait3A_98 = arith.constant 0 : i32
      %dma_wait3A_99 = tpu.memref_slice %dma_wait3A_96[%dma_wait3A_97, %dma_wait3A_98] : memref<19999x64xf32, #tpu.memory_space<hbm>> -> memref<19999x64xf32, #tpu.memory_space<hbm>>
      tpu.wait_indirect_dma semaphore(%arg14 : memref<!tpu.dma_semaphore, #tpu.memory_space<semaphore_mem>>) src(%dma_wait3A_99 : memref<19999x64xf32, #tpu.memory_space<hbm>>) dst(%arg8 : memref<125x64xf32, #tpu.memory_space<vmem>>)
      %dma_start3A_100 = arith.constant 0 : i32
      %dma_start3A_101 = tpu.memref_slice %arg7[%add3A_91, %dma_start3A_100] : memref<160x125xi32, #tpu.memory_space<vmem>> -> memref<1x125xi32, #tpu.memory_space<vmem>>
      %dma_start3A_102 = tpu.memref_squeeze %dma_start3A_101 : memref<1x125xi32, #tpu.memory_space<vmem>> -> memref<125xi32, #tpu.memory_space<vmem>>
      %dma_start3A_103 = arith.constant 0 : i32
      %dma_start3A_104 = arith.constant 0 : i32
      %dma_start3A_105 = tpu.memref_slice %arg13[%dma_start3A_103, %dma_start3A_104] : memref<10240x64xf32, #tpu.memory_space<vmem_shared>> -> memref<10240x64xf32, #tpu.memory_space<vmem_shared>>
      tpu.enqueue_indirect_dma source(%arg8 : memref<125x64xf32, #tpu.memory_space<vmem>>) target(%dma_start3A_105 : memref<10240x64xf32, #tpu.memory_space<vmem_shared>>) offsets(%dma_start3A_102 : memref<125xi32, #tpu.memory_space<vmem>>) semaphore(%arg18 : memref<!tpu.dma_semaphore, #tpu.memory_space<semaphore_mem>>) {add = true}
      %ge3A = arith.constant 1 : i32
      %ge3A_106 = arith.cmpi sge, %scan3A_88, %ge3A : i32
      %convert_element_type3A = arith.extui %ge3A_106 : i1 to i32
      %cond3A = arith.constant 0 : i32
      %cond3A_107 = arith.cmpi ne, %convert_element_type3A, %cond3A : i32
      scf.if %cond3A_107 {
        %sub3A_205 = arith.constant 2 : i32
        %sub3A_206 = arith.subi %add3A_91, %sub3A_205 : i32
        %dma_wait3A_207 = arith.constant 0 : i32
        %dma_wait3A_208 = tpu.memref_slice %arg7[%sub3A_206, %dma_wait3A_207] : memref<160x125xi32, #tpu.memory_space<vmem>> -> memref<1x125xi32, #tpu.memory_space<vmem>>
        %dma_wait3A_209 = tpu.memref_squeeze %dma_wait3A_208 : memref<1x125xi32, #tpu.memory_space<vmem>> -> memref<125xi32, #tpu.memory_space<vmem>>
        %dma_wait3A_210 = arith.constant 0 : i32
        %dma_wait3A_211 = arith.constant 0 : i32
        %dma_wait3A_212 = tpu.memref_slice %arg13[%dma_wait3A_210, %dma_wait3A_211] : memref<10240x64xf32, #tpu.memory_space<vmem_shared>> -> memref<10240x64xf32, #tpu.memory_space<vmem_shared>>
        tpu.wait_indirect_dma semaphore(%arg20 : memref<!tpu.dma_semaphore, #tpu.memory_space<semaphore_mem>>) src(%arg10 : memref<125x64xf32, #tpu.memory_space<vmem>>) dst(%dma_wait3A_212 : memref<10240x64xf32, #tpu.memory_space<vmem_shared>>)
      } else {
      }
      %add3A_108 = arith.constant 2 : i32
      %add3A_109 = arith.addi %add3A_91, %add3A_108 : i32
      %dma_start3A_110 = arith.constant 0 : i32
      %dma_start3A_111 = tpu.memref_slice %arg6[%add3A_109, %dma_start3A_110] : memref<160x125xi32, #tpu.memory_space<vmem>> -> memref<1x125xi32, #tpu.memory_space<vmem>>
      %dma_start3A_112 = tpu.memref_squeeze %dma_start3A_111 : memref<1x125xi32, #tpu.memory_space<vmem>> -> memref<125xi32, #tpu.memory_space<vmem>>
      %dma_start3A_113 = arith.constant 0 : i32
      %dma_start3A_114 = tpu.memref_slice %arg2[%arg0, %dma_start3A_113] : memref<20000x64xf32, #tpu.memory_space<hbm>> -> memref<19999x64xf32, #tpu.memory_space<hbm>>
      %dma_start3A_115 = arith.constant 0 : i32
      %dma_start3A_116 = arith.constant 0 : i32
      %dma_start3A_117 = tpu.memref_slice %dma_start3A_114[%dma_start3A_115, %dma_start3A_116] : memref<19999x64xf32, #tpu.memory_space<hbm>> -> memref<19999x64xf32, #tpu.memory_space<hbm>>
      tpu.enqueue_indirect_dma source(%dma_start3A_117 : memref<19999x64xf32, #tpu.memory_space<hbm>>) target(%arg10 : memref<125x64xf32, #tpu.memory_space<vmem>>) offsets(%dma_start3A_112 : memref<125xi32, #tpu.memory_space<vmem>>) semaphore(%arg16 : memref<!tpu.dma_semaphore, #tpu.memory_space<semaphore_mem>>)
      %add3A_118 = arith.constant 1 : i32
      %add3A_119 = arith.addi %mul3A_90, %add3A_118 : i32
      %dma_wait3A_120 = arith.constant 0 : i32
      %dma_wait3A_121 = tpu.memref_slice %arg6[%add3A_119, %dma_wait3A_120] : memref<160x125xi32, #tpu.memory_space<vmem>> -> memref<1x125xi32, #tpu.memory_space<vmem>>
      %dma_wait3A_122 = tpu.memref_squeeze %dma_wait3A_121 : memref<1x125xi32, #tpu.memory_space<vmem>> -> memref<125xi32, #tpu.memory_space<vmem>>
      %dma_wait3A_123 = arith.constant 0 : i32
      %dma_wait3A_124 = tpu.memref_slice %arg2[%arg0, %dma_wait3A_123] : memref<20000x64xf32, #tpu.memory_space<hbm>> -> memref<19999x64xf32, #tpu.memory_space<hbm>>
      %dma_wait3A_125 = arith.constant 0 : i32
      %dma_wait3A_126 = arith.constant 0 : i32
      %dma_wait3A_127 = tpu.memref_slice %dma_wait3A_124[%dma_wait3A_125, %dma_wait3A_126] : memref<19999x64xf32, #tpu.memory_space<hbm>> -> memref<19999x64xf32, #tpu.memory_space<hbm>>
      tpu.wait_indirect_dma semaphore(%arg15 : memref<!tpu.dma_semaphore, #tpu.memory_space<semaphore_mem>>) src(%dma_wait3A_127 : memref<19999x64xf32, #tpu.memory_space<hbm>>) dst(%arg9 : memref<125x64xf32, #tpu.memory_space<vmem>>)
      %dma_start3A_128 = arith.constant 0 : i32
      %dma_start3A_129 = tpu.memref_slice %arg7[%add3A_119, %dma_start3A_128] : memref<160x125xi32, #tpu.memory_space<vmem>> -> memref<1x125xi32, #tpu.memory_space<vmem>>
      %dma_start3A_130 = tpu.memref_squeeze %dma_start3A_129 : memref<1x125xi32, #tpu.memory_space<vmem>> -> memref<125xi32, #tpu.memory_space<vmem>>
      %dma_start3A_131 = arith.constant 0 : i32
      %dma_start3A_132 = arith.constant 0 : i32
      %dma_start3A_133 = tpu.memref_slice %arg13[%dma_start3A_131, %dma_start3A_132] : memref<10240x64xf32, #tpu.memory_space<vmem_shared>> -> memref<10240x64xf32, #tpu.memory_space<vmem_shared>>
      tpu.enqueue_indirect_dma source(%arg9 : memref<125x64xf32, #tpu.memory_space<vmem>>) target(%dma_start3A_133 : memref<10240x64xf32, #tpu.memory_space<vmem_shared>>) offsets(%dma_start3A_130 : memref<125xi32, #tpu.memory_space<vmem>>) semaphore(%arg19 : memref<!tpu.dma_semaphore, #tpu.memory_space<semaphore_mem>>) {add = true}
      %ge3A_134 = arith.constant 1 : i32
      %ge3A_135 = arith.cmpi sge, %scan3A_88, %ge3A_134 : i32
      %convert_element_type3A_136 = arith.extui %ge3A_135 : i1 to i32
      %cond3A_137 = arith.constant 0 : i32
      %cond3A_138 = arith.cmpi ne, %convert_element_type3A_136, %cond3A_137 : i32
      scf.if %cond3A_138 {
        %sub3A_205 = arith.constant 2 : i32
        %sub3A_206 = arith.subi %add3A_119, %sub3A_205 : i32
        %dma_wait3A_207 = arith.constant 0 : i32
        %dma_wait3A_208 = tpu.memref_slice %arg7[%sub3A_206, %dma_wait3A_207] : memref<160x125xi32, #tpu.memory_space<vmem>> -> memref<1x125xi32, #tpu.memory_space<vmem>>
        %dma_wait3A_209 = tpu.memref_squeeze %dma_wait3A_208 : memref<1x125xi32, #tpu.memory_space<vmem>> -> memref<125xi32, #tpu.memory_space<vmem>>
        %dma_wait3A_210 = arith.constant 0 : i32
        %dma_wait3A_211 = arith.constant 0 : i32
        %dma_wait3A_212 = tpu.memref_slice %arg13[%dma_wait3A_210, %dma_wait3A_211] : memref<10240x64xf32, #tpu.memory_space<vmem_shared>> -> memref<10240x64xf32, #tpu.memory_space<vmem_shared>>
        tpu.wait_indirect_dma semaphore(%arg21 : memref<!tpu.dma_semaphore, #tpu.memory_space<semaphore_mem>>) src(%arg11 : memref<125x64xf32, #tpu.memory_space<vmem>>) dst(%dma_wait3A_212 : memref<10240x64xf32, #tpu.memory_space<vmem_shared>>)
      } else {
      }
      %add3A_139 = arith.constant 2 : i32
      %add3A_140 = arith.addi %add3A_119, %add3A_139 : i32
      %dma_start3A_141 = arith.constant 0 : i32
      %dma_start3A_142 = tpu.memref_slice %arg6[%add3A_140, %dma_start3A_141] : memref<160x125xi32, #tpu.memory_space<vmem>> -> memref<1x125xi32, #tpu.memory_space<vmem>>
      %dma_start3A_143 = tpu.memref_squeeze %dma_start3A_142 : memref<1x125xi32, #tpu.memory_space<vmem>> -> memref<125xi32, #tpu.memory_space<vmem>>
      %dma_start3A_144 = arith.constant 0 : i32
      %dma_start3A_145 = tpu.memref_slice %arg2[%arg0, %dma_start3A_144] : memref<20000x64xf32, #tpu.memory_space<hbm>> -> memref<19999x64xf32, #tpu.memory_space<hbm>>
      %dma_start3A_146 = arith.constant 0 : i32
      %dma_start3A_147 = arith.constant 0 : i32
      %dma_start3A_148 = tpu.memref_slice %dma_start3A_145[%dma_start3A_146, %dma_start3A_147] : memref<19999x64xf32, #tpu.memory_space<hbm>> -> memref<19999x64xf32, #tpu.memory_space<hbm>>
      tpu.enqueue_indirect_dma source(%dma_start3A_148 : memref<19999x64xf32, #tpu.memory_space<hbm>>) target(%arg11 : memref<125x64xf32, #tpu.memory_space<vmem>>) offsets(%dma_start3A_143 : memref<125xi32, #tpu.memory_space<vmem>>) semaphore(%arg17 : memref<!tpu.dma_semaphore, #tpu.memory_space<semaphore_mem>>)
      %add3A_149 = arith.constant 2 : i32
      %add3A_150 = arith.addi %mul3A_90, %add3A_149 : i32
      %dma_wait3A_151 = arith.constant 0 : i32
      %dma_wait3A_152 = tpu.memref_slice %arg6[%add3A_150, %dma_wait3A_151] : memref<160x125xi32, #tpu.memory_space<vmem>> -> memref<1x125xi32, #tpu.memory_space<vmem>>
      %dma_wait3A_153 = tpu.memref_squeeze %dma_wait3A_152 : memref<1x125xi32, #tpu.memory_space<vmem>> -> memref<125xi32, #tpu.memory_space<vmem>>
      %dma_wait3A_154 = arith.constant 0 : i32
      %dma_wait3A_155 = tpu.memref_slice %arg2[%arg0, %dma_wait3A_154] : memref<20000x64xf32, #tpu.memory_space<hbm>> -> memref<19999x64xf32, #tpu.memory_space<hbm>>
      %dma_wait3A_156 = arith.constant 0 : i32
      %dma_wait3A_157 = arith.constant 0 : i32
      %dma_wait3A_158 = tpu.memref_slice %dma_wait3A_155[%dma_wait3A_156, %dma_wait3A_157] : memref<19999x64xf32, #tpu.memory_space<hbm>> -> memref<19999x64xf32, #tpu.memory_space<hbm>>
      tpu.wait_indirect_dma semaphore(%arg16 : memref<!tpu.dma_semaphore, #tpu.memory_space<semaphore_mem>>) src(%dma_wait3A_158 : memref<19999x64xf32, #tpu.memory_space<hbm>>) dst(%arg10 : memref<125x64xf32, #tpu.memory_space<vmem>>)
      %dma_start3A_159 = arith.constant 0 : i32
      %dma_start3A_160 = tpu.memref_slice %arg7[%add3A_150, %dma_start3A_159] : memref<160x125xi32, #tpu.memory_space<vmem>> -> memref<1x125xi32, #tpu.memory_space<vmem>>
      %dma_start3A_161 = tpu.memref_squeeze %dma_start3A_160 : memref<1x125xi32, #tpu.memory_space<vmem>> -> memref<125xi32, #tpu.memory_space<vmem>>
      %dma_start3A_162 = arith.constant 0 : i32
      %dma_start3A_163 = arith.constant 0 : i32
      %dma_start3A_164 = tpu.memref_slice %arg13[%dma_start3A_162, %dma_start3A_163] : memref<10240x64xf32, #tpu.memory_space<vmem_shared>> -> memref<10240x64xf32, #tpu.memory_space<vmem_shared>>
      tpu.enqueue_indirect_dma source(%arg10 : memref<125x64xf32, #tpu.memory_space<vmem>>) target(%dma_start3A_164 : memref<10240x64xf32, #tpu.memory_space<vmem_shared>>) offsets(%dma_start3A_161 : memref<125xi32, #tpu.memory_space<vmem>>) semaphore(%arg20 : memref<!tpu.dma_semaphore, #tpu.memory_space<semaphore_mem>>) {add = true}
      %sub3A = arith.constant 2 : i32
      %sub3A_165 = arith.subi %add3A_150, %sub3A : i32
      %dma_wait3A_166 = arith.constant 0 : i32
      %dma_wait3A_167 = tpu.memref_slice %arg7[%sub3A_165, %dma_wait3A_166] : memref<160x125xi32, #tpu.memory_space<vmem>> -> memref<1x125xi32, #tpu.memory_space<vmem>>
      %dma_wait3A_168 = tpu.memref_squeeze %dma_wait3A_167 : memref<1x125xi32, #tpu.memory_space<vmem>> -> memref<125xi32, #tpu.memory_space<vmem>>
      %dma_wait3A_169 = arith.constant 0 : i32
      %dma_wait3A_170 = arith.constant 0 : i32
      %dma_wait3A_171 = tpu.memref_slice %arg13[%dma_wait3A_169, %dma_wait3A_170] : memref<10240x64xf32, #tpu.memory_space<vmem_shared>> -> memref<10240x64xf32, #tpu.memory_space<vmem_shared>>
      tpu.wait_indirect_dma semaphore(%arg18 : memref<!tpu.dma_semaphore, #tpu.memory_space<semaphore_mem>>) src(%arg8 : memref<125x64xf32, #tpu.memory_space<vmem>>) dst(%dma_wait3A_171 : memref<10240x64xf32, #tpu.memory_space<vmem_shared>>)
      %lt3A = arith.constant 39 : i32
      %lt3A_172 = arith.cmpi slt, %scan3A_88, %lt3A : i32
      %convert_element_type3A_173 = arith.extui %lt3A_172 : i1 to i32
      %cond3A_174 = arith.constant 0 : i32
      %cond3A_175 = arith.cmpi ne, %convert_element_type3A_173, %cond3A_174 : i32
      scf.if %cond3A_175 {
        %add3A_205 = arith.constant 2 : i32
        %add3A_206 = arith.addi %add3A_150, %add3A_205 : i32
        %dma_start3A_207 = arith.constant 0 : i32
        %dma_start3A_208 = tpu.memref_slice %arg6[%add3A_206, %dma_start3A_207] : memref<160x125xi32, #tpu.memory_space<vmem>> -> memref<1x125xi32, #tpu.memory_space<vmem>>
        %dma_start3A_209 = tpu.memref_squeeze %dma_start3A_208 : memref<1x125xi32, #tpu.memory_space<vmem>> -> memref<125xi32, #tpu.memory_space<vmem>>
        %dma_start3A_210 = arith.constant 0 : i32
        %dma_start3A_211 = tpu.memref_slice %arg2[%arg0, %dma_start3A_210] : memref<20000x64xf32, #tpu.memory_space<hbm>> -> memref<19999x64xf32, #tpu.memory_space<hbm>>
        %dma_start3A_212 = arith.constant 0 : i32
        %dma_start3A_213 = arith.constant 0 : i32
        %dma_start3A_214 = tpu.memref_slice %dma_start3A_211[%dma_start3A_212, %dma_start3A_213] : memref<19999x64xf32, #tpu.memory_space<hbm>> -> memref<19999x64xf32, #tpu.memory_space<hbm>>
        tpu.enqueue_indirect_dma source(%dma_start3A_214 : memref<19999x64xf32, #tpu.memory_space<hbm>>) target(%arg8 : memref<125x64xf32, #tpu.memory_space<vmem>>) offsets(%dma_start3A_209 : memref<125xi32, #tpu.memory_space<vmem>>) semaphore(%arg14 : memref<!tpu.dma_semaphore, #tpu.memory_space<semaphore_mem>>)
      } else {
      }
      %add3A_176 = arith.constant 3 : i32
      %add3A_177 = arith.addi %mul3A_90, %add3A_176 : i32
      %dma_wait3A_178 = arith.constant 0 : i32
      %dma_wait3A_179 = tpu.memref_slice %arg6[%add3A_177, %dma_wait3A_178] : memref<160x125xi32, #tpu.memory_space<vmem>> -> memref<1x125xi32, #tpu.memory_space<vmem>>
      %dma_wait3A_180 = tpu.memref_squeeze %dma_wait3A_179 : memref<1x125xi32, #tpu.memory_space<vmem>> -> memref<125xi32, #tpu.memory_space<vmem>>
      %dma_wait3A_181 = arith.constant 0 : i32
      %dma_wait3A_182 = tpu.memref_slice %arg2[%arg0, %dma_wait3A_181] : memref<20000x64xf32, #tpu.memory_space<hbm>> -> memref<19999x64xf32, #tpu.memory_space<hbm>>
      %dma_wait3A_183 = arith.constant 0 : i32
      %dma_wait3A_184 = arith.constant 0 : i32
      %dma_wait3A_185 = tpu.memref_slice %dma_wait3A_182[%dma_wait3A_183, %dma_wait3A_184] : memref<19999x64xf32, #tpu.memory_space<hbm>> -> memref<19999x64xf32, #tpu.memory_space<hbm>>
      tpu.wait_indirect_dma semaphore(%arg17 : memref<!tpu.dma_semaphore, #tpu.memory_space<semaphore_mem>>) src(%dma_wait3A_185 : memref<19999x64xf32, #tpu.memory_space<hbm>>) dst(%arg11 : memref<125x64xf32, #tpu.memory_space<vmem>>)
      %dma_start3A_186 = arith.constant 0 : i32
      %dma_start3A_187 = tpu.memref_slice %arg7[%add3A_177, %dma_start3A_186] : memref<160x125xi32, #tpu.memory_space<vmem>> -> memref<1x125xi32, #tpu.memory_space<vmem>>
      %dma_start3A_188 = tpu.memref_squeeze %dma_start3A_187 : memref<1x125xi32, #tpu.memory_space<vmem>> -> memref<125xi32, #tpu.memory_space<vmem>>
      %dma_start3A_189 = arith.constant 0 : i32
      %dma_start3A_190 = arith.constant 0 : i32
      %dma_start3A_191 = tpu.memref_slice %arg13[%dma_start3A_189, %dma_start3A_190] : memref<10240x64xf32, #tpu.memory_space<vmem_shared>> -> memref<10240x64xf32, #tpu.memory_space<vmem_shared>>
      tpu.enqueue_indirect_dma source(%arg11 : memref<125x64xf32, #tpu.memory_space<vmem>>) target(%dma_start3A_191 : memref<10240x64xf32, #tpu.memory_space<vmem_shared>>) offsets(%dma_start3A_188 : memref<125xi32, #tpu.memory_space<vmem>>) semaphore(%arg21 : memref<!tpu.dma_semaphore, #tpu.memory_space<semaphore_mem>>) {add = true}
      %sub3A_192 = arith.constant 2 : i32
      %sub3A_193 = arith.subi %add3A_177, %sub3A_192 : i32
      %dma_wait3A_194 = arith.constant 0 : i32
      %dma_wait3A_195 = tpu.memref_slice %arg7[%sub3A_193, %dma_wait3A_194] : memref<160x125xi32, #tpu.memory_space<vmem>> -> memref<1x125xi32, #tpu.memory_space<vmem>>
      %dma_wait3A_196 = tpu.memref_squeeze %dma_wait3A_195 : memref<1x125xi32, #tpu.memory_space<vmem>> -> memref<125xi32, #tpu.memory_space<vmem>>
      %dma_wait3A_197 = arith.constant 0 : i32
      %dma_wait3A_198 = arith.constant 0 : i32
      %dma_wait3A_199 = tpu.memref_slice %arg13[%dma_wait3A_197, %dma_wait3A_198] : memref<10240x64xf32, #tpu.memory_space<vmem_shared>> -> memref<10240x64xf32, #tpu.memory_space<vmem_shared>>
      tpu.wait_indirect_dma semaphore(%arg19 : memref<!tpu.dma_semaphore, #tpu.memory_space<semaphore_mem>>) src(%arg9 : memref<125x64xf32, #tpu.memory_space<vmem>>) dst(%dma_wait3A_199 : memref<10240x64xf32, #tpu.memory_space<vmem_shared>>)
      %lt3A_200 = arith.constant 39 : i32
      %lt3A_201 = arith.cmpi slt, %scan3A_88, %lt3A_200 : i32
      %convert_element_type3A_202 = arith.extui %lt3A_201 : i1 to i32
      %cond3A_203 = arith.constant 0 : i32
      %cond3A_204 = arith.cmpi ne, %convert_element_type3A_202, %cond3A_203 : i32
      scf.if %cond3A_204 {
        %add3A_205 = arith.constant 2 : i32
        %add3A_206 = arith.addi %add3A_177, %add3A_205 : i32
        %dma_start3A_207 = arith.constant 0 : i32
        %dma_start3A_208 = tpu.memref_slice %arg6[%add3A_206, %dma_start3A_207] : memref<160x125xi32, #tpu.memory_space<vmem>> -> memref<1x125xi32, #tpu.memory_space<vmem>>
        %dma_start3A_209 = tpu.memref_squeeze %dma_start3A_208 : memref<1x125xi32, #tpu.memory_space<vmem>> -> memref<125xi32, #tpu.memory_space<vmem>>
        %dma_start3A_210 = arith.constant 0 : i32
        %dma_start3A_211 = tpu.memref_slice %arg2[%arg0, %dma_start3A_210] : memref<20000x64xf32, #tpu.memory_space<hbm>> -> memref<19999x64xf32, #tpu.memory_space<hbm>>
        %dma_start3A_212 = arith.constant 0 : i32
        %dma_start3A_213 = arith.constant 0 : i32
        %dma_start3A_214 = tpu.memref_slice %dma_start3A_211[%dma_start3A_212, %dma_start3A_213] : memref<19999x64xf32, #tpu.memory_space<hbm>> -> memref<19999x64xf32, #tpu.memory_space<hbm>>
        tpu.enqueue_indirect_dma source(%dma_start3A_214 : memref<19999x64xf32, #tpu.memory_space<hbm>>) target(%arg9 : memref<125x64xf32, #tpu.memory_space<vmem>>) offsets(%dma_start3A_209 : memref<125xi32, #tpu.memory_space<vmem>>) semaphore(%arg15 : memref<!tpu.dma_semaphore, #tpu.memory_space<semaphore_mem>>)
      } else {
      }
    }
    %scan3A_66 = arith.constant 40 : i32
    %dma_wait3A_67 = arith.constant 158 : i32
    %dma_wait3A_68 = arith.constant 0 : i32
    %dma_wait3A_69 = tpu.memref_slice %arg7[%dma_wait3A_67, %dma_wait3A_68] : memref<160x125xi32, #tpu.memory_space<vmem>> -> memref<1x125xi32, #tpu.memory_space<vmem>>
    %dma_wait3A_70 = tpu.memref_squeeze %dma_wait3A_69 : memref<1x125xi32, #tpu.memory_space<vmem>> -> memref<125xi32, #tpu.memory_space<vmem>>
    %dma_wait3A_71 = arith.constant 0 : i32
    %dma_wait3A_72 = arith.constant 0 : i32
    %dma_wait3A_73 = tpu.memref_slice %arg13[%dma_wait3A_71, %dma_wait3A_72] : memref<10240x64xf32, #tpu.memory_space<vmem_shared>> -> memref<10240x64xf32, #tpu.memory_space<vmem_shared>>
    tpu.wait_indirect_dma semaphore(%arg20 : memref<!tpu.dma_semaphore, #tpu.memory_space<semaphore_mem>>) src(%arg10 : memref<125x64xf32, #tpu.memory_space<vmem>>) dst(%dma_wait3A_73 : memref<10240x64xf32, #tpu.memory_space<vmem_shared>>)
    %dma_wait3A_74 = arith.constant 159 : i32
    %dma_wait3A_75 = arith.constant 0 : i32
    %dma_wait3A_76 = tpu.memref_slice %arg7[%dma_wait3A_74, %dma_wait3A_75] : memref<160x125xi32, #tpu.memory_space<vmem>> -> memref<1x125xi32, #tpu.memory_space<vmem>>
    %dma_wait3A_77 = tpu.memref_squeeze %dma_wait3A_76 : memref<1x125xi32, #tpu.memory_space<vmem>> -> memref<125xi32, #tpu.memory_space<vmem>>
    %dma_wait3A_78 = arith.constant 0 : i32
    %dma_wait3A_79 = arith.constant 0 : i32
    %dma_wait3A_80 = tpu.memref_slice %arg13[%dma_wait3A_78, %dma_wait3A_79] : memref<10240x64xf32, #tpu.memory_space<vmem_shared>> -> memref<10240x64xf32, #tpu.memory_space<vmem_shared>>
    tpu.wait_indirect_dma semaphore(%arg21 : memref<!tpu.dma_semaphore, #tpu.memory_space<semaphore_mem>>) src(%arg11 : memref<125x64xf32, #tpu.memory_space<vmem>>) dst(%dma_wait3A_80 : memref<10240x64xf32, #tpu.memory_space<vmem_shared>>)
    %barrier3A_81 = arith.constant 0 : index
    tpu.barrier barrier_id(%barrier3A_81)
    %scan3A_82 = arith.constant 0 : i32
    %scan3A_83 = arith.constant 0 : i32
    %scan3A_84 = arith.constant 5 : i32
    %scan3A_85 = arith.addi %scan3A_83, %scan3A_84 : i32
    %scan3A_86 = arith.constant 1 : i32
    scf.for %scan3A_88 = %scan3A_83 to %scan3A_85 step %scan3A_86  : i32 {
      %mul3A_89 = arith.constant 128 : i32
      %mul3A_90 = arith.muli %scan3A_88, %mul3A_89 : i32
      %add3A = arith.addi %mul3A_0, %mul3A_90 : i32
      "tpu.region"() ({
        %run_scoped3A = tpu.sem_alloc : memref<!tpu.dma_semaphore, #tpu.memory_space<semaphore_mem>>
        %dma_start3A_96 = arith.constant 0 : i32
        %dma_start3A_97 = tpu.memref_slice %arg13[%add3A, %dma_start3A_96] : memref<10240x64xf32, #tpu.memory_space<vmem_shared>> -> memref<128x64xf32, #tpu.memory_space<vmem_shared>>
        %dma_start3A_98 = arith.constant 0 : i32
        %dma_start3A_99 = tpu.memref_slice %arg13[%add3A, %dma_start3A_98] : memref<10240x64xf32, #tpu.memory_space<vmem_shared>> -> memref<128x64xf32, #tpu.memory_space<vmem_shared>>
        tpu.enqueue_dma source(%dma_start3A_99 : memref<128x64xf32, #tpu.memory_space<vmem_shared>>) target(%arg12 : memref<128x64xf32, #tpu.memory_space<vmem>>) target_semaphore(%run_scoped3A : memref<!tpu.dma_semaphore, #tpu.memory_space<semaphore_mem>>)
        %dma_wait3A_100 = arith.constant 0 : i32
        %dma_wait3A_101 = tpu.memref_slice %arg13[%add3A, %dma_wait3A_100] : memref<10240x64xf32, #tpu.memory_space<vmem_shared>> -> memref<128x64xf32, #tpu.memory_space<vmem_shared>>
        %dma_wait3A_102 = arith.constant 0 : i32
        %dma_wait3A_103 = tpu.memref_slice %arg13[%add3A, %dma_wait3A_102] : memref<10240x64xf32, #tpu.memory_space<vmem_shared>> -> memref<128x64xf32, #tpu.memory_space<vmem_shared>>
        tpu.wait_dma2 semaphore(%run_scoped3A : memref<!tpu.dma_semaphore, #tpu.memory_space<semaphore_mem>>) src(%dma_wait3A_103 : memref<128x64xf32, #tpu.memory_space<vmem_shared>>) dst(%arg12 : memref<128x64xf32, #tpu.memory_space<vmem>>)
        tpu.yield
      }) : () -> ()
      %mul3A_91 = arith.constant 128 : i32
      %mul3A_92 = arith.muli %scan3A_88, %mul3A_91 : i32
      %add3A_93 = arith.addi %mul3A_0, %mul3A_92 : i32
      %mul3A_94 = arith.constant 64 : i32
      %mul3A_95 = arith.muli %arg0, %mul3A_94 : i32
      "tpu.region"() ({
        %run_scoped3A = tpu.sem_alloc : memref<!tpu.dma_semaphore, #tpu.memory_space<semaphore_mem>>
        %dma_start3A_96 = tpu.memref_slice %arg5[%add3A_93, %mul3A_95] : memref<10240x128xf32, #tpu.memory_space<hbm>> -> memref<128x64xf32, #tpu.memory_space<hbm>>
        %dma_start3A_97 = tpu.memref_slice %arg5[%add3A_93, %mul3A_95] : memref<10240x128xf32, #tpu.memory_space<hbm>> -> memref<128x64xf32, #tpu.memory_space<hbm>>
        tpu.enqueue_dma source(%arg12 : memref<128x64xf32, #tpu.memory_space<vmem>>) target(%dma_start3A_97 : memref<128x64xf32, #tpu.memory_space<hbm>>) target_semaphore(%run_scoped3A : memref<!tpu.dma_semaphore, #tpu.memory_space<semaphore_mem>>)
        %dma_wait3A_98 = tpu.memref_slice %arg5[%add3A_93, %mul3A_95] : memref<10240x128xf32, #tpu.memory_space<hbm>> -> memref<128x64xf32, #tpu.memory_space<hbm>>
        %dma_wait3A_99 = tpu.memref_slice %arg5[%add3A_93, %mul3A_95] : memref<10240x128xf32, #tpu.memory_space<hbm>> -> memref<128x64xf32, #tpu.memory_space<hbm>>
        tpu.wait_dma2 semaphore(%run_scoped3A : memref<!tpu.dma_semaphore, #tpu.memory_space<semaphore_mem>>) src(%arg12 : memref<128x64xf32, #tpu.memory_space<vmem>>) dst(%dma_wait3A_99 : memref<128x64xf32, #tpu.memory_space<hbm>>)
        tpu.yield
      }) : () -> ()
    }
    %scan3A_87 = arith.constant 5 : i32
    return
  }
}

module attributes {stable_mosaic.version = 14 : i64} {
  func.func @body(%arg0: i32, %arg1: memref<1xf32, #tpu.memory_space<smem>>, %arg2: memref<1000x128xf32, #tpu.memory_space<vmem>>, %arg3: memref<1000x128xf32, #tpu.memory_space<vmem>>, %arg4: memref<128x128xf32, #tpu.memory_space<vmem>>, %arg5: memref<1x128xf32, #tpu.memory_space<vmem>>, %arg6: memref<128x128xf32, #tpu.memory_space<vmem>>, %arg7: memref<1x128xf32, #tpu.memory_space<vmem>>, %arg8: memref<1000x128xf32, #tpu.memory_space<vmem>>) attributes {dimension_semantics = [#tpu.dimension_semantics<arbitrary>], iteration_bounds = array<i64: 10>, scalar_prefetch = 0 : i64, scratch_operands = 0 : i64, tpu.core_type = #tpu.core_type<tc>, window_params = [{transform_indices = @transform_0, window_bounds = array<i64: 1>}, {transform_indices = @transform_1, window_bounds = array<i64: 1000, 128>}, {transform_indices = @transform_2, window_bounds = array<i64: 1000, 128>}, {pipeline_mode = #tpu.pipeline_mode<synchronous>, transform_indices = @transform_3, window_bounds = array<i64: 128, 128>}, {pipeline_mode = #tpu.pipeline_mode<synchronous>, transform_indices = @transform_4, window_bounds = array<i64: 1, 128>}, {pipeline_mode = #tpu.pipeline_mode<synchronous>, transform_indices = @transform_5, window_bounds = array<i64: 128, 128>}, {pipeline_mode = #tpu.pipeline_mode<synchronous>, transform_indices = @transform_6, window_bounds = array<i64: 1, 128>}, {transform_indices = @transform_7, window_bounds = array<i64: 1000, 128>}]} {
    %get3A = arith.constant 0 : index
    %get3A_0 = memref.load %arg1[%get3A] : memref<1xf32, #tpu.memory_space<smem>>
    %add3A = arith.constant 1.000000e+00 : f32
    %add3A_1 = arith.addf %add3A, %get3A_0 : f32
    %get3A_2 = arith.constant 0 : index
    %get3A_3 = arith.constant 0 : index
    %get3A_4 = vector.load %arg2[%get3A_2, %get3A_3] : memref<1000x128xf32, #tpu.memory_space<vmem>>, vector<1000x128xf32>
    %mul3A = vector.broadcast %add3A_1 : f32 to vector<1000x128xf32>
    %mul3A_5 = arith.mulf %mul3A, %get3A_4 : vector<1000x128xf32>
    %get3A_6 = arith.constant 0 : index
    %get3A_7 = arith.constant 0 : index
    %get3A_8 = vector.load %arg3[%get3A_6, %get3A_7] : memref<1000x128xf32, #tpu.memory_space<vmem>>, vector<1000x128xf32>
    %add3A_9 = arith.addf %mul3A_5, %get3A_8 : vector<1000x128xf32>
    %get3A_10 = arith.constant 0 : index
    %get3A_11 = arith.constant 0 : index
    %get3A_12 = vector.load %arg4[%get3A_10, %get3A_11] : memref<128x128xf32, #tpu.memory_space<vmem>>, vector<128x128xf32>
    %dot_general3A = arith.constant dense<0.000000e+00> : vector<1000x128xf32>
    %dot_general3A_13 = tpu.matmul %add3A_9, %get3A_12, %dot_general3A {dimension_numbers = #tpu.dot_dimension_numbers<[1], [0], [0], [1], [0, 0, 1, 1], [], []>, transpose_lhs_hint = false} : vector<1000x128xf32>, vector<128x128xf32>, vector<1000x128xf32> -> vector<1000x128xf32>
    %get3A_14 = arith.constant 0 : index
    %get3A_15 = arith.constant 0 : index
    %get3A_16 = vector.load %arg5[%get3A_14, %get3A_15] : memref<1x128xf32, #tpu.memory_space<vmem>>, vector<1x128xf32>
    %add3A_17 = vector.broadcast %get3A_16 : vector<1x128xf32> to vector<1000x128xf32>
    %add3A_18 = arith.addf %dot_general3A_13, %add3A_17 : vector<1000x128xf32>
    %max3A = arith.constant 0.000000e+00 : f32
    %max3A_19 = vector.broadcast %max3A : f32 to vector<1000x128xf32>
    %max3A_20 = arith.maximumf %add3A_18, %max3A_19 : vector<1000x128xf32>
    %get3A_21 = arith.constant 0 : index
    %get3A_22 = arith.constant 0 : index
    %get3A_23 = vector.load %arg6[%get3A_21, %get3A_22] : memref<128x128xf32, #tpu.memory_space<vmem>>, vector<128x128xf32>
    %dot_general3A_24 = arith.constant dense<0.000000e+00> : vector<1000x128xf32>
    %dot_general3A_25 = tpu.matmul %max3A_20, %get3A_23, %dot_general3A_24 {dimension_numbers = #tpu.dot_dimension_numbers<[1], [0], [0], [1], [0, 0, 1, 1], [], []>, transpose_lhs_hint = false} : vector<1000x128xf32>, vector<128x128xf32>, vector<1000x128xf32> -> vector<1000x128xf32>
    %get3A_26 = arith.constant 0 : index
    %get3A_27 = arith.constant 0 : index
    %get3A_28 = vector.load %arg7[%get3A_26, %get3A_27] : memref<1x128xf32, #tpu.memory_space<vmem>>, vector<1x128xf32>
    %add3A_29 = vector.broadcast %get3A_28 : vector<1x128xf32> to vector<1000x128xf32>
    %add3A_30 = arith.addf %dot_general3A_25, %add3A_29 : vector<1000x128xf32>
    %swap3A = arith.constant 0 : index
    %swap3A_31 = arith.constant 0 : index
    %swap3A_32 = vector.load %arg8[%swap3A, %swap3A_31] : memref<1000x128xf32, #tpu.memory_space<vmem>>, vector<1000x128xf32>
    tpu.vector_store %arg8[%swap3A, %swap3A_31], %add3A_30 {strides = array<i32>} : memref<1000x128xf32, #tpu.memory_space<vmem>>, vector<1000x128xf32>,
    return
  }
  func.func @transform_0(%arg0: i32) -> i32 {
    %c0_i32 = arith.constant 0 : i32
    %c0_i32_0 = arith.constant 0 : i32
    return %c0_i32 : i32
  }
  func.func @transform_1(%arg0: i32) -> (i32, i32) {
    %c0_i32 = arith.constant 0 : i32
    %c0_i32_0 = arith.constant 0 : i32
    return %arg0, %c0_i32 : i32, i32
  }
  func.func @transform_2(%arg0: i32) -> (i32, i32) {
    %c0_i32 = arith.constant 0 : i32
    %c0_i32_0 = arith.constant 0 : i32
    return %arg0, %c0_i32 : i32, i32
  }
  func.func @transform_3(%arg0: i32) -> (i32, i32) {
    %c0_i32 = arith.constant 0 : i32
    %c0_i32_0 = arith.constant 0 : i32
    %c0_i32_1 = arith.constant 0 : i32
    return %c0_i32, %c0_i32_0 : i32, i32
  }
  func.func @transform_4(%arg0: i32) -> (i32, i32) {
    %c0_i32 = arith.constant 0 : i32
    %c0_i32_0 = arith.constant 0 : i32
    %c0_i32_1 = arith.constant 0 : i32
    return %c0_i32, %c0_i32_0 : i32, i32
  }
  func.func @transform_5(%arg0: i32) -> (i32, i32) {
    %c0_i32 = arith.constant 0 : i32
    %c0_i32_0 = arith.constant 0 : i32
    %c0_i32_1 = arith.constant 0 : i32
    return %c0_i32, %c0_i32_0 : i32, i32
  }
  func.func @transform_6(%arg0: i32) -> (i32, i32) {
    %c0_i32 = arith.constant 0 : i32
    %c0_i32_0 = arith.constant 0 : i32
    %c0_i32_1 = arith.constant 0 : i32
    return %c0_i32, %c0_i32_0 : i32, i32
  }
  func.func @transform_7(%arg0: i32) -> (i32, i32) {
    %c0_i32 = arith.constant 0 : i32
    %c0_i32_0 = arith.constant 0 : i32
    return %arg0, %c0_i32 : i32, i32
  }
}

</mosaic_0001>

<sc_bundles>
// kernel: gin_segment_sum.3.cloned.1.call-start
scs
__scs_entry_jumppad:
0x0: {  	(pc) =	sbr.rel $0x88, $3  }
0x1: {  	(tag) =	ssettag $0x0;
	lr =	simm.s32 $0x1  }
0x2: {  	[smem:$0x3F9A] =	sst lr;
	_ =	strace $0xD0000000  }
0x3: {  	_ = 	snop  }
0x4: {  	_ = 	snop  }
0x5: {  	_ = 	snop  }
0x6: {  	_ = 	snop  }
0x7: {  	_ = 	snop  }
__scs_overlays_trampoline_lowered:
0x8: {  	[smem:$0x3FA9] =	sst s0  }
0x9: {  	[smem:$0x3FAA] =	sst s1  }
0xa: {  	[smem:$0x3FAB] =	sst s2  }
0xb: {  	[smem:$0x3FAC] =	sst s3  }
0xc: {  	[smem:$0x3FAD] =	sst s4  }
0xd: {  	[smem:$0x3FAE] =	sst s5  }
0xe: {  	[smem:$0x3FAF] =	sst s6  }
0xf: {  	[smem:$0x3FB0] =	sst s7  }
0x10: {  	[smem:$0x3FB1] =	sst s8  }
0x11: {  	[smem:$0x3FB2] =	sst s9;
	s0 =	simm.s32 @!p0 $0x0  }
0x12: {  	s1 =	sld [smem:$0x3F98];
	s0 =	simm.s32 @p0 $0x1  }
0x13: {  	[smem:$0x3FB3] =	sst s0;
	s0 =	simm.s32 @!p1 $0x0  }
0x14: {  	s2 =	sld [smem:$0x3F97];
	s0 =	simm.s32 @p1 $0x1  }
0x15: {  	[smem:$0x3FB4] =	sst s0;
	s0 =	simm.s32 @!p2 $0x0  }
0x16: {  	s3 =	sld [smem:$0x3FDB];
	s0 =	simm.s32 @p2 $0x1  }
0x17: {  	s4 =	simm.s32 $0x1BF5;
	[smem:$0x3FB6] =	sst s0  }
0x18: {  	s0 =	sld [smem:$0x3F99];
	_ =	swait.ge [sflag:s4], $0x0  }
0x19: {  	s7 =	sld [smem:$0x3F9A]  }
0x1a: {  	s8 =	sadd.s32 $0xFFFFE003, lr  }
0x1b: {  	s9 =	sadd.s32 $0xFFFFFEF7, lr;
	s5 =	simm.s32 $0xFFFFFFFF;
	p2 =	slt.u32 s8, $0xFFFFF086  }
0x1c: {  	p1 =	slt.u32 s9, $0xF7A;
	s5 =	simm.s32 @!p2 $0x0  }
0x1d: {  	s5 =	simm.s32 @p1 $0x1;
	p0 =	seq.s32 s7, s2  }
0x1e: {  	s7 =	smul.u32 @!p0 $0xF7A, s2;
	p2 =	seq.s32 @!p0 s5, $0x0  }
0x1f: {  	s9 =	smul.u32 $0xF7A, s1;
	s8 =	simm.s32 @!p0 $0x1BF5;
	p2 =	por !p2, p0  }
0x20: {  	[sflag:s8] =	ssyncset.s32 @!p0 $0xFFFFF086;
	s6 =	sadd.s32 @!p0 s3, s7;
	s7 =	simm.s32 @!p0 $0x108  }
0x21: {  	s3 =	sadd.s32 s3, s9;
	s6 =	sadd.s32 @!p0 $0x88, s6;
	s7 =	simm.s32 @p2 $0x1082  }
0x22: {  	[simem:s7], [sflag:s8] =	dma.local @!p0 [hbm:s6], $0xF7A  }
0x23: {  	s9 =	sor.u32 $0xD0000000, s2;
	s6 =	simm.s32 $0x108;
	_ =	swait.ge @!p0 [sflag:s8], $0x0  }
0x24: {  	s3 =	sadd.s32 $0x88, s3;
	s6 =	simm.s32 @!p1 $0x1082;
	[sflag:s4] =	ssyncset.s32 $0xFFFFF086  }
0x25: {  	[simem:s6], [sflag:s4] =	dma.local [hbm:s3], $0xF7A  }
0x26: {  	[smem:$0x3F9A] =	sst s1;
	(tag) =	ssettag s2;
	_ =	strace s9  }
0x27: {  	s1 =	sld [smem:$0x3FAA]  }
0x28: {  	s2 =	sld [smem:$0x3FAB]  }
0x29: {  	s4 =	sld [smem:$0x3FAD]  }
0x2a: {  	p0 =	seq.s32 s5, $0x0;
	s5 =	sld [smem:$0x3FAE]  }
0x2b: {  	s6 =	sld [smem:$0x3FAF]  }
0x2c: {  	s7 =	sld [smem:$0x3FB0]  }
0x2d: {  	s3 =	simm.s32 $0x108;
	s8 =	sld [smem:$0x3FB1]  }
0x2e: {  	s3 =	simm.s32 @!p0 $0x1082;
	s9 =	sld [smem:$0x3FB2]  }
0x2f: {  	lr =	sadd.s32 s0, s3;
	s0 =	sld [smem:$0x3FA9]  }
0x30: {  	s3 =	sld [smem:$0x3FAC]  }
0x31: {  	[smem:$0x3FB5] =	sst s10  }
0x32: {  	s10 =	sld [smem:$0x3FB3];
	_ =	sdelay $0x3  }
0x33: {  	p0 =	seq.s32 s10, $0x1;
	s10 =	sld [smem:$0x3FB5];
	_ =	sdelay $0x3  }
0x34: {  	[smem:$0x3FB5] =	sst s10  }
0x35: {  	s10 =	sld [smem:$0x3FB4];
	_ =	sdelay $0x3  }
0x36: {  	p1 =	seq.s32 s10, $0x1;
	s10 =	sld [smem:$0x3FB5];
	_ =	sdelay $0x3  }
0x37: {  	[smem:$0x3FB5] =	sst s10  }
0x38: {  	s10 =	sld [smem:$0x3FB6]  }
0x39: {  	_ = 	snop;
	(pc) =	sbr.ind lr, $3  }
0x3a: {  	_ = 	snop  }
0x3b: {  	_ = 	snop  }
0x3c: {  	p2 =	seq.s32 s10, $0x1;
	s10 =	sld [smem:$0x3FB5]  }
0x3d: {  	_ =	shalt  }
0x3e: {  	_ =	shalt  }
0x3f: {  	_ =	shalt  }
0x40: {  	_ =	shalt  }
0x41: {  	_ =	shalt  }
0x42: {  	_ =	shalt  }
0x43: {  	_ =	shalt  }
0x44: {  	_ =	shalt  }
0x45: {  	_ =	shalt  }
0x46: {  	_ =	shalt  }
0x47: {  	_ =	shalt  }
0x48: {  	_ =	shalt  }
0x49: {  	_ =	shalt  }
0x4a: {  	_ =	shalt  }
0x4b: {  	_ =	shalt  }
0x4c: {  	_ =	shalt  }
0x4d: {  	_ =	shalt  }
0x4e: {  	_ =	shalt  }
0x4f: {  	_ =	shalt  }
0x50: {  	_ =	shalt  }
0x51: {  	_ =	shalt  }
0x52: {  	_ =	shalt  }
0x53: {  	_ =	shalt  }
0x54: {  	_ =	shalt  }
0x55: {  	_ =	shalt  }
0x56: {  	_ =	shalt  }
0x57: {  	_ =	shalt  }
0x58: {  	_ =	shalt  }
0x59: {  	_ =	shalt  }
0x5a: {  	_ =	shalt  }
0x5b: {  	_ =	shalt  }
0x5c: {  	_ =	shalt  }
0x5d: {  	_ =	shalt  }
0x5e: {  	_ =	shalt  }
0x5f: {  	_ =	shalt  }
0x60: {  	_ =	shalt  }
0x61: {  	_ =	shalt  }
0x62: {  	_ =	shalt  }
0x63: {  	_ =	shalt  }
0x64: {  	_ =	shalt  }
0x65: {  	_ =	shalt  }
0x66: {  	_ =	shalt  }
0x67: {  	_ =	shalt  }
0x68: {  	_ =	shalt  }
0x69: {  	_ =	shalt  }
0x6a: {  	_ =	shalt  }
0x6b: {  	_ =	shalt  }
0x6c: {  	_ =	shalt  }
0x6d: {  	_ =	shalt  }
0x6e: {  	_ =	shalt  }
0x6f: {  	_ =	shalt  }
0x70: {  	_ =	shalt  }
0x71: {  	_ =	shalt  }
0x72: {  	_ =	shalt  }
0x73: {  	_ =	shalt  }
0x74: {  	_ =	shalt  }
0x75: {  	_ =	shalt  }
0x76: {  	_ =	shalt  }
0x77: {  	_ =	shalt  }
0x78: {  	_ =	shalt  }
0x79: {  	_ =	shalt  }
0x7a: {  	_ =	shalt  }
0x7b: {  	_ =	shalt  }
0x7c: {  	_ =	shalt  }
0x7d: {  	_ =	shalt  }
0x7e: {  	_ =	shalt  }
0x7f: {  	_ =	shalt  }
0x80: {  	_ =	shalt  }
0x81: {  	_ =	shalt  }
0x82: {  	_ =	shalt  }
0x83: {  	_ =	shalt  }
0x84: {  	_ =	shalt  }
0x85: {  	_ =	shalt  }
0x86: {  	_ =	shalt  }
0x87: {  	_ =	shalt  }
.Lfunc_end0:
.L_simem_size_0:
called_computation_lowered:
.L_overlay_start_0:
0x88: {  	s2 =	sld [smem:$0x3FD9]  }
0x89: {  	s3 =	sld [smem:$0x3FFE];
	_ =	sdelay $0x1  }
0x8a: {  	s1 =	srdreg.scid  }
0x8b: {  	s0 =	sand.u32 $0x1, s1  }
0x8c: {  	s17 =	sshll.u32 s0, $0xA;
	s2 =	sadd.s32 s3, s2  }
0x8d: {  	s2 =	sadd.s32 s2, s17  }
0x8e: {  	[smem:$0x3FC1] =	sst s2  }
0x8f: {  	_ = 	snop  }
0x90: {  	s2 =	sld [smem:$0x3FC9]  }
0x91: {  	s18 =	sld [smem:$0x3FD0];
	(tm) =	ssettm $0x1  }
0x92: {  	s4 =	sld [smem:$0x3FFB];
	_ =	sdelay $0x3  }
0x93: {  	_ =	strace s4  }
0x94: {  	s4 =	sld [smem:$0x3FFC];
	_ =	sdelay $0x3  }
0x95: {  	_ =	strace s4  }
0x96: {  	s4 =	sld [smem:$0x3FFD];
	_ =	sdelay $0x3  }
0x97: {  	_ =	strace s4  }
0x98: {  	_ =	strace $0x8FFFFFFF  }
0x99: {  	s19 =	sld [smem:$0x3FDB];
	_ =	sdelay $0x1  }
0x9a: {  	s5 =	simm.s32 $_scs_section_size  }
0x9b: {  	s6 =	simm.s32 $_size__tile_overlayer_lowered;
	s7 =	simm.s32 $_tile_overlayer_lowered  }
0x9c: {  	s22 =	simm.s32 $0x1BFF;
	s21 =	sshll.u32 s7, $0x1;
	s4 =	sadd.s32 s5, s19  }
0x9d: {  	s8 =	simm.s32 $0x0;
	s20 =	sshll.u32 s6, $0x1;
	s6 =	sadd.s32 s21, s4  }
0x9e: {  	[timem:s8], [sflag:s22] =	dma.local [hbm:s6], s20  }
0x9f: {  	_ =	swait.ge [sflag:s22], s20  }
0xa0: {  	s5 =	ssub.s32 $0x0, s20;
	[sflag:s22] =	ssyncset.done $0x0  }
0xa1: {  	[sflag:s22] =	ssyncadd.s32 s5;
	_ =	sdelay $0x1  }
0xa2: {  	s23 =	simm.s32 $0x1B8B  }
0xa3: {  	_ =	swait.ge [sflag:s23], $0x1  }
0xa4: {  	[sflag:s23] =	ssyncset.done $0x0  }
0xa5: {  	s25 =	simm.s32 $0x1B8E;
	s24 =	sld [smem:$0x3FFE];
	[sflag:s23] =	ssyncadd.s32 $0xFFFFFFFF  }
0xa6: {  	s26 =	simm.s32 $execute0_lowered;
	[smem:$0x3FD2] =	sst s25  }
0xa7: {  	s6 =	sshll.u32 s26, $0x1;
	_ =	strace $0x80000046;
	[dreg:$0x1] =	wrdreg $0xFFFFFFFF  }
0xa8: {  	s28 =	simm.s32 $_size_execute0_lowered;
	s4 =	sadd.s32 s4, s6;
	[dreg:$0x0] =	wrdreg $0x0  }
0xa9: {  	s6 =	sshll.u32 s28, $0x1;
	[dreg:$0x2] =	wrdreg s4  }
0xaa: {  	[dreg:$0x3] =	wrdreg s6  }
0xab: {  	[dreg:$0x4] =	wrdreg $0xC0  }
0xac: {  	_ =	task [dreg:s8], $0x5FFFF  }
0xad: {  	[dreg:$0x1] =	wrdreg $0xFFFFFFFF  }
0xae: {  	[dreg:$0x0] =	wrdreg $0x60  }
0xaf: {  	[dreg:$0x2] =	wrdreg s2  }
0xb0: {  	[dreg:$0x3] =	wrdreg s18  }
0xb1: {  	[dreg:$0x4] =	wrdreg s24  }
0xb2: {  	[dreg:$0x5] =	wrdreg $0x13D000  }
0xb3: {  	[dreg:$0x6] =	wrdreg $0x9  }
0xb4: {  	_ =	task.clear_ibuf [dreg:s8], $0x7FFFF;
	_ =	strace $0x90000046  }
0xb5: {  	s29 =	simm.s32 $0x9;
	_ =	strace $0x80000048  }
0xb6: {  	_ =	swait.ge [sflag:s29], $0x1  }
0xb7: {  	[sflag:s29] =	ssyncadd.s32 $0xFFFFFFFF  }
0xb8: {  	_ =	strace $0x90000048  }
0xb9: {  	_ =	sfence  }
0xba: {  	s30 =	sld [smem:$0x0];
	_ =	sdelay $0x2  }
0xbb: {  	s31 =	sshll.u32 s1, $0xD;
	s1 =	sshrl.u32 s1, $0x2  }
0xbc: {  	s3 =	sand.u32 $0x4000, s31;
	s1 =	sadd.s32 s1, s30  }
0xbd: {  	s0 =	sor.u32 s3, s0;
	s1 =	sshll.u32 s1, $0x11  }
0xbe: {  	s0 =	sor.u32 s1, s0  }
0xbf: {  	s0 =	sadd.s32 $0x8F2B, s0  }
0xc0: {  	[sflag:s0] =	ssyncadd.remote.s32 $0x1  }
0xc1: {  	_ =	sfence.sel $0xFFFF  }
0xc2: {  	[dreg:$0x0] =	wrdreg $0xFFFFFFFF;
	(pc) =	sbr.abs _section_cstart, $3  }
0xc3: {  	[dreg:$0x1] =	wrdreg $0xFFFFFFFF  }
0xc4: {  	_ =	task.clear_ibuf [dreg:s8], $0x2FFFF;
	_ =	strace $0x9FFFFFFF  }
0xc5: {  	(tm) =	ssettm $0x7FFFFFFF  }
tec
execute0_lowered:
.L_overlay_start_1:
0x0: {  	(tag) =	ssettag $0x1  }
0x1: {  	s0 =	rddreg [dreg:$0x0]  }
0x2: {  	s2 =	rddreg [dreg:$0x1]  }
0x3: {  	s3 =	rddreg [dreg:$0x2]  }
0x4: {  	s1 =	rddreg [dreg:$0x3];
	s5 =	simm.s32 $0x0  }
0x5: {  	s4 =	srdreg.scid;
	s12 =	stileid.u32;
	s28 =	simm.s32 $0x7D  }
0x6: {  	s29 =	simm.s32 $0xA000;
	s30 =	simm.s32 $0x80;
	s26 =	smul.u32 $0xA00, s12  }
0x7: {  	s31 =	simm.s32 $0xBF40;
	[smem:$0x7FF] =	sst s5;
	s8 =	smul.u32 $0x28000, s12  }
0x8: {  	s4 =	sand.u32 $0x1, s4;
	s11 =	smul.u32 $0x280, s12;
	s5 =	simm.s32 $0x4  }
0x9: {  	_ =	strace $0x80000047;
	s6 =	ssub.s32 $0x2, s4;
	s4 =	sshll.u32 s4, $0x3  }
0xa: {  	s7 =	sshrl.u32 s6, $0x1;
	s9 =	sadd.s32 s26, s3;
	s3 =	sadd.s32 s4, s3  }
0xb: {  	s2 =	sadd.s32 s2, s26;
	s16 =	sadd.s32 $0x80, s11;
	s18 =	sadd.s32 $0x100, s11  }
0xc: {  	s21 =	sadd.s32 $0x180, s11;
	s23 =	sadd.s32 $0x200, s11;
	s11 =	simm.s32 $0x40  }
0xd: {  	s10 =	ssub.s32 s6, s7;
	[dreg:$0x5] =	wrdreg s2;
	s6 =	sshrl.u32 s8, $0x2  }
0xe: {  	s7 =	sadd.s32 $0xE00, s9;
	s8 =	sadd.s32 $0xAE00, s3;
	s17 =	sshll.u32 s16, $0x6  }
0xf: {  	s19 =	sshll.u32 s18, $0x6;
	s20 =	sshll.u32 s18, $0x4;
	s22 =	sshll.u32 s21, $0x6  }
0x10: {  	s24 =	sshll.u32 s21, $0x4;
	s25 =	sshll.u32 s23, $0x6;
	s26 =	sshll.u32 s23, $0x4  }
0x11: {  	s23 =	simm.s32 $0x11D00;
	[dreg:$0x6] =	wrdreg s7;
	s6 =	sadd.s32 s6, s1  }
0x12: {  	s7 =	sadd.s32 s0, s4;
	s9 =	smax.u32 s10, $0x1;
	s10 =	smul.u32 $0x2800, s12  }
0x13: {  	s3 =	sadd.s32 s17, s1;
	s17 =	sadd.s32 s20, s8;
	s18 =	sadd.s32 s22, s1  }
0x14: {  	s20 =	sadd.s32 s25, s1;
	s21 =	sadd.s32 s26, s8;
	s22 =	simm.s32 $0x5000  }
0x15: {  	s25 =	simm.s32 $0x1;
	s26 =	simm.s32 $0x2;
	[dreg:$0x7] =	wrdreg s9  }
0x16: {  	s0 =	simm.s32 $0xFDC0;
	s12 =	sadd.s32 $0x2000, s6;
	[dreg:$0xd] =	wrdreg s3  }
0x17: {  	s4 =	simm.s32 $0x5;
	s13 =	sadd.s32 $0x4000, s6;
	[dreg:$0x8] =	wrdreg s12  }
0x18: {  	s14 =	sadd.s32 $0x6000, s6;
	s15 =	sadd.s32 $0x8000, s6;
	[dreg:$0x9] =	wrdreg s13  }
0x19: {  	s3 =	simm.s32 $0x3;
	[dreg:$0xa] =	wrdreg s14;
	s2 =	sadd.s32 s10, s8  }
.Ltmp0:
0x1a: {  	[dreg:$0xc] =	wrdreg s2;
	s2 =	sshll.u32 s16, $0x4;
	(pc) =	sbr.rel .LBB2_1-.Ltmp0, $4  }
0x1b: {  	s9 =	simm.s32 $0x7;
	[dreg:$0xb] =	wrdreg s15;
	s2 =	sadd.s32 s2, s8  }
0x1c: {  	s10 =	simm.s32 $0x8;
	s12 =	simm.s32 $0x0;
	[dreg:$0xe] =	wrdreg s2  }
0x1d: {  	s2 =	sadd.s32 s19, s1;
	s19 =	sadd.s32 s24, s8;
	s24 =	simm.s32 $0x9  }
0x1e: {  	v0 =	vimm.f32 $0.0e+00;
	s8 =	simm.s32 $0x6;
	[dreg:$0xf] =	wrdreg s2;
	s2 =	simm.s32 $0xDE80  }
.LBB2_6:
0x1f: {  	_ =	swait.ge [sflag:s5], $0x1F40  }
0x20: {  	[sflag:s5] =	ssyncset.done $0x0  }
0x21: {  	[sflag:s5] =	ssyncadd.s32 $0xFFFFE0C0  }
0x22: {  	[spmem:s1] =	stream.indirect.scatter.add.f32 [tilespmem:s0], [sflag:$0x8], $0x40, s15, s28, $0xb8;
	[tilespmem:$0x1DD00] =	vst v63  }
0x23: {  	_ =	swait.ge [sflag:s8], $0x1F40  }
0x24: {  	[sflag:s8] =	ssyncset.done $0x0  }
0x25: {  	[sflag:s8] =	ssyncadd.s32 $0xFFFFE0C0  }
0x26: {  	_ =	swait.ge [sflag:s9], $0x1F40  }
0x27: {  	[sflag:s9] =	ssyncset.done $0x0  }
0x28: {  	[sflag:s9] =	ssyncadd.s32 $0xFFFFE0C0  }
0x29: {  	_ =	swait.ge [sflag:s10], $0x1F40  }
0x2a: {  	[sflag:s10] =	ssyncset.done $0x0  }
0x2b: {  	[sflag:s10] =	ssyncadd.s32 $0xFFFFE0C0  }
0x2c: {  	[bflag:$0x0] =	sbarrier.arrive $0xFFFF  }
0x2d: {  	[tilespmem:s23], [sflag:$0x9] =	stream.linear.gather [spmem:s6], $0x2000, $0x38;
	[tilespmem:$0x1DD00] =	vst v63  }
0x2e: {  	_ =	swait.ge [sflag:s24], $0x2000  }
0x2f: {  	[sflag:s24] =	ssyncset.done $0x0  }
0x30: {  	s13 =	rddreg [dreg:$0xc];
	[sflag:s24] =	ssyncadd.s32 $0xFFFFE000  }
0x31: {  	[hbm4b:s13+s11] =	stream.strided.scatter [tilespmem:s23], [sflag:$0x9], $0x2000, s30, s11, $0x38;
	[tilespmem:$0x1DD00] =	vst v63  }
0x32: {  	_ =	swait.ge [sflag:s24], $0x2000  }
0x33: {  	[sflag:s24] =	ssyncset.done $0x0  }
0x34: {  	s16 =	rddreg [dreg:$0xd];
	[sflag:s24] =	ssyncadd.s32 $0xFFFFE000  }
0x35: {  	[tilespmem:s23], [sflag:$0x9] =	stream.linear.gather [spmem:s16], $0x2000, $0x38;
	[tilespmem:$0x1DD00] =	vst v63  }
0x36: {  	_ =	swait.ge [sflag:s24], $0x2000  }
0x37: {  	[sflag:s24] =	ssyncset.done $0x0  }
0x38: {  	s14 =	rddreg [dreg:$0xe];
	[sflag:s24] =	ssyncadd.s32 $0xFFFFE000  }
0x39: {  	[hbm4b:s14+s11] =	stream.strided.scatter [tilespmem:s23], [sflag:$0x9], $0x2000, s30, s11, $0x38;
	[tilespmem:$0x1DD00] =	vst v63  }
0x3a: {  	_ =	swait.ge [sflag:s24], $0x2000  }
0x3b: {  	[sflag:s24] =	ssyncset.done $0x0  }
0x3c: {  	s15 =	rddreg [dreg:$0xf];
	[sflag:s24] =	ssyncadd.s32 $0xFFFFE000  }
0x3d: {  	[tilespmem:s23], [sflag:$0x9] =	stream.linear.gather [spmem:s15], $0x2000, $0x38;
	[tilespmem:$0x1DD00] =	vst v63  }
0x3e: {  	_ =	swait.ge [sflag:s24], $0x2000  }
0x3f: {  	[sflag:s24] =	ssyncset.done $0x0  }
0x40: {  	[sflag:s24] =	ssyncadd.s32 $0xFFFFE000  }
0x41: {  	[hbm4b:s17+s11] =	stream.strided.scatter [tilespmem:s23], [sflag:$0x9], $0x2000, s30, s11, $0x38;
	[tilespmem:$0x1DD00] =	vst v63  }
0x42: {  	_ =	swait.ge [sflag:s24], $0x2000  }
0x43: {  	[sflag:s24] =	ssyncset.done $0x0  }
0x44: {  	[sflag:s24] =	ssyncadd.s32 $0xFFFFE000  }
0x45: {  	[tilespmem:s23], [sflag:$0x9] =	stream.linear.gather [spmem:s18], $0x2000, $0x38;
	[tilespmem:$0x1DD00] =	vst v63  }
0x46: {  	_ =	swait.ge [sflag:s24], $0x2000  }
0x47: {  	[sflag:s24] =	ssyncset.done $0x0  }
0x48: {  	[sflag:s24] =	ssyncadd.s32 $0xFFFFE000  }
0x49: {  	[hbm4b:s19+s11] =	stream.strided.scatter [tilespmem:s23], [sflag:$0x9], $0x2000, s30, s11, $0x38;
	[tilespmem:$0x1DD00] =	vst v63  }
0x4a: {  	_ =	swait.ge [sflag:s24], $0x2000  }
0x4b: {  	[sflag:s24] =	ssyncset.done $0x0  }
0x4c: {  	[sflag:s24] =	ssyncadd.s32 $0xFFFFE000  }
0x4d: {  	[tilespmem:s23], [sflag:$0x9] =	stream.linear.gather [spmem:s20], $0x2000, $0x38;
	[tilespmem:$0x1DD00] =	vst v63  }
0x4e: {  	_ =	swait.ge [sflag:s24], $0x2000  }
0x4f: {  	[sflag:s24] =	ssyncset.done $0x0  }
0x50: {  	[sflag:s24] =	ssyncadd.s32 $0xFFFFE000  }
0x51: {  	[hbm4b:s21+s11] =	stream.strided.scatter [tilespmem:s23], [sflag:$0x9], $0x2000, s30, s11, $0x38;
	[tilespmem:$0x1DD00] =	vst v63  }
0x52: {  	_ =	swait.ge [sflag:s24], $0x2000  }
0x53: {  	s12 =	sadd.s32 $0x1, s12;
	s16 =	rddreg [dreg:$0x7]  }
0x54: {  	p0 =	sne.s32 s12, s16  }
.Ltmp1:
0x55: {  	_ = 	snop;
	(pc) =	sbr.rel @!p0 .LBB2_7-.Ltmp1, $3  }
0x56: {  	_ =	sdelay $0x1  }
0x57: {  	[sflag:s24] =	ssyncset.done $0x0  }
0x58: {  	[sflag:s24] =	ssyncadd.s32 $0xFFFFE000  }
.LBB2_1:
0x59: {  	s13 =	simm.s32 $0x0;
	s14 =	rddreg [dreg:$0x5]  }
0x5a: {  	[tilespmem:s13], [sflag:$0x1] =	stream.linear.gather [hbm4b:s14+s13], $0x5000, $0x38;
	[tilespmem:$0x1DD00] =	vst v63  }
0x5b: {  	s16 =	rddreg [dreg:$0x6]  }
0x5c: {  	[tilespmem:s22], [sflag:$0x2] =	stream.linear.gather [hbm4b:s16+s13], $0x5000, $0x38;
	[tilespmem:$0x1DD00] =	vst v63  }
0x5d: {  	s14 =	simm.s32 $0x100;
	s13 =	simm.s32 $0x0  }
.LBB2_2:
0x5e: {  	p0 =	sne.s32 s14, $0x7F00;
	[tilespmem:s13+$0x11D30] =	vst v0;
	s15 =	smov.u32 s14;
	s14 =	sadd.s32 $0x100, s14  }
.Ltmp2:
0x5f: {  	[tilespmem:s13+$0x11D20] =	vst v0;
	(pc) =	sbr.rel @p0 .LBB2_2-.Ltmp2, $3  }
0x60: {  	[tilespmem:s13+$0x11D00] =	vst v0  }
0x61: {  	[tilespmem:s13+$0x11D10] =	vst v0;
	_ =	sdelay $0x1  }
0x62: {  	s13 =	sshra.s32 s15, $0x2  }
0x63: {  	[tilespmem:s13+$0x11D30] =	vst v0  }
0x64: {  	[tilespmem:s13+$0x11D20] =	vst v0  }
0x65: {  	[tilespmem:s13+$0x11D00] =	vst v0  }
0x66: {  	[tilespmem:s13+$0x11D10] =	vst v0  }
0x67: {  	[spmem:s6] =	stream.linear.scatter [tilespmem:s23], [sflag:$0x9], $0x2000, $0x38;
	[tilespmem:$0x1DD00] =	vst v63  }
0x68: {  	_ =	swait.ge [sflag:s24], $0x2000  }
0x69: {  	[sflag:s24] =	ssyncset.done $0x0  }
0x6a: {  	s14 =	rddreg [dreg:$0x8];
	[sflag:s24] =	ssyncadd.s32 $0xFFFFE000  }
0x6b: {  	[spmem:s14] =	stream.linear.scatter [tilespmem:s23], [sflag:$0x9], $0x2000, $0x38;
	[tilespmem:$0x1DD00] =	vst v63  }
0x6c: {  	_ =	swait.ge [sflag:s24], $0x2000  }
0x6d: {  	[sflag:s24] =	ssyncset.done $0x0  }
0x6e: {  	s15 =	rddreg [dreg:$0x9];
	[sflag:s24] =	ssyncadd.s32 $0xFFFFE000  }
0x6f: {  	[spmem:s15] =	stream.linear.scatter [tilespmem:s23], [sflag:$0x9], $0x2000, $0x38;
	[tilespmem:$0x1DD00] =	vst v63  }
0x70: {  	_ =	swait.ge [sflag:s24], $0x2000  }
0x71: {  	[sflag:s24] =	ssyncset.done $0x0  }
0x72: {  	s16 =	rddreg [dreg:$0xa];
	[sflag:s24] =	ssyncadd.s32 $0xFFFFE000  }
0x73: {  	[spmem:s16] =	stream.linear.scatter [tilespmem:s23], [sflag:$0x9], $0x2000, $0x38;
	[tilespmem:$0x1DD00] =	vst v63  }
0x74: {  	_ =	swait.ge [sflag:s24], $0x2000  }
0x75: {  	[sflag:s24] =	ssyncset.done $0x0  }
0x76: {  	s14 =	rddreg [dreg:$0xb];
	[sflag:s24] =	ssyncadd.s32 $0xFFFFE000  }
0x77: {  	[spmem:s14] =	stream.linear.scatter [tilespmem:s23], [sflag:$0x9], $0x2000, $0x38;
	[tilespmem:$0x1DD00] =	vst v63  }
0x78: {  	_ =	swait.ge [sflag:s24], $0x2000  }
0x79: {  	[sflag:s24] =	ssyncset.done $0x0  }
0x7a: {  	[sflag:s24] =	ssyncadd.s32 $0xFFFFE000  }
0x7b: {  	_ =	swait.ge [sflag:s25], $0x5000  }
0x7c: {  	[sflag:s25] =	ssyncset.done $0x0  }
0x7d: {  	[sflag:s25] =	ssyncadd.s32 $0xFFFFB000  }
0x7e: {  	_ =	swait.ge [sflag:s26], $0x5000  }
0x7f: {  	[sflag:s26] =	ssyncset.done $0x0  }
0x80: {  	[sflag:s26] =	ssyncadd.s32 $0xFFFFB000  }
0x81: {  	s13 =	simm.s32 $0x0;
	[bflag:$0x0] =	sbarrier.arrive $0xFFFF  }
0x82: {  	[tilespmem:s29], [sflag:$0x1] =	stream.indirect.gather [hbm4b:s7+s28], $0x40, s13, s28, $0xb8;
	[tilespmem:$0x1DD00] =	vst v63  }
0x83: {  	_ = 	snop  }
0x84: {  	[tilespmem:s31], [sflag:$0x2] =	stream.indirect.gather [hbm4b:s7+s28], $0x40, s30, s28, $0xb8;
	[tilespmem:$0x1DD00] =	vst v63  }
0x85: {  	_ =	swait.ge [sflag:s25], $0x1F40  }
0x86: {  	[sflag:s25] =	ssyncset.done $0x0  }
0x87: {  	[sflag:s25] =	ssyncadd.s32 $0xFFFFE0C0  }
0x88: {  	[spmem:s1] =	stream.indirect.scatter.add.f32 [tilespmem:s29], [sflag:$0x5], $0x40, s22, s28, $0xb8;
	[tilespmem:$0x1DD00] =	vst v63  }
0x89: {  	s14 =	simm.s32 $0x100  }
0x8a: {  	[tilespmem:s2], [sflag:$0x3] =	stream.indirect.gather [hbm4b:s7+s28], $0x40, s14, s28, $0xb8;
	[tilespmem:$0x1DD00] =	vst v63  }
0x8b: {  	_ =	swait.ge [sflag:s26], $0x1F40  }
0x8c: {  	[sflag:s26] =	ssyncset.done $0x0  }
0x8d: {  	s15 =	simm.s32 $0x5080;
	[sflag:s26] =	ssyncadd.s32 $0xFFFFE0C0  }
0x8e: {  	[spmem:s1] =	stream.indirect.scatter.add.f32 [tilespmem:s31], [sflag:$0x6], $0x40, s15, s28, $0xb8;
	[tilespmem:$0x1DD00] =	vst v63  }
0x8f: {  	s16 =	simm.s32 $0x180  }
0x90: {  	[tilespmem:s0], [sflag:$0x4] =	stream.indirect.gather [hbm4b:s7+s28], $0x40, s16, s28, $0xb8;
	[tilespmem:$0x1DD00] =	vst v63  }
0x91: {  	_ =	swait.ge [sflag:s3], $0x1F40  }
0x92: {  	[sflag:s3] =	ssyncset.done $0x0  }
0x93: {  	s15 =	simm.s32 $0x5100;
	[sflag:s3] =	ssyncadd.s32 $0xFFFFE0C0  }
0x94: {  	[spmem:s1] =	stream.indirect.scatter.add.f32 [tilespmem:s2], [sflag:$0x7], $0x40, s15, s28, $0xb8;
	[tilespmem:$0x1DD00] =	vst v63  }
0x95: {  	_ =	swait.ge [sflag:s4], $0x1F40  }
0x96: {  	[sflag:s4] =	ssyncset.done $0x0  }
0x97: {  	s16 =	simm.s32 $0x200;
	[sflag:s4] =	ssyncadd.s32 $0xFFFFE0C0  }
0x98: {  	[tilespmem:s29], [sflag:$0x1] =	stream.indirect.gather [hbm4b:s7+s28], $0x40, s16, s28, $0xb8;
	[tilespmem:$0x1DD00] =	vst v63  }
0x99: {  	_ =	swait.ge [sflag:s5], $0x1F40  }
0x9a: {  	[sflag:s5] =	ssyncset.done $0x0  }
0x9b: {  	s15 =	simm.s32 $0x5180;
	[sflag:s5] =	ssyncadd.s32 $0xFFFFE0C0  }
0x9c: {  	[spmem:s1] =	stream.indirect.scatter.add.f32 [tilespmem:s0], [sflag:$0x8], $0x40, s15, s28, $0xb8;
	[tilespmem:$0x1DD00] =	vst v63  }
0x9d: {  	_ =	swait.ge [sflag:s8], $0x1F40  }
0x9e: {  	[sflag:s8] =	ssyncset.done $0x0  }
0x9f: {  	s16 =	simm.s32 $0x280;
	[sflag:s8] =	ssyncadd.s32 $0xFFFFE0C0  }
0xa0: {  	[tilespmem:s31], [sflag:$0x2] =	stream.indirect.gather [hbm4b:s7+s28], $0x40, s16, s28, $0xb8;
	[tilespmem:$0x1DD00] =	vst v63  }
.LBB2_4:
0xa1: {  	_ =	swait.ge [sflag:s25], $0x1F40  }
0xa2: {  	s14 =	sshra.s32 s13, $0x2;
	[sflag:s25] =	ssyncset.done $0x0  }
0xa3: {  	s15 =	sadd.s32 $0x5200, s14;
	[sflag:s25] =	ssyncadd.s32 $0xFFFFE0C0  }
0xa4: {  	[spmem:s1] =	stream.indirect.scatter.add.f32 [tilespmem:s29], [sflag:$0x5], $0x40, s15, s28, $0xb8;
	[tilespmem:$0x1DD00] =	vst v63  }
0xa5: {  	_ =	swait.ge [sflag:s9], $0x1F40  }
0xa6: {  	[sflag:s9] =	ssyncset.done $0x0  }
0xa7: {  	s16 =	sadd.s32 $0x300, s14;
	[sflag:s9] =	ssyncadd.s32 $0xFFFFE0C0  }
0xa8: {  	[tilespmem:s2], [sflag:$0x3] =	stream.indirect.gather [hbm4b:s7+s28], $0x40, s16, s28, $0xb8;
	[tilespmem:$0x1DD00] =	vst v63  }
0xa9: {  	_ =	swait.ge [sflag:s26], $0x1F40  }
0xaa: {  	[sflag:s26] =	ssyncset.done $0x0  }
0xab: {  	s16 =	sadd.s32 $0x5280, s14;
	[sflag:s26] =	ssyncadd.s32 $0xFFFFE0C0  }
0xac: {  	[spmem:s1] =	stream.indirect.scatter.add.f32 [tilespmem:s31], [sflag:$0x6], $0x40, s16, s28, $0xb8;
	[tilespmem:$0x1DD00] =	vst v63  }
0xad: {  	_ =	swait.ge [sflag:s10], $0x1F40  }
0xae: {  	[sflag:s10] =	ssyncset.done $0x0  }
0xaf: {  	s16 =	sadd.s32 $0x380, s14;
	[sflag:s10] =	ssyncadd.s32 $0xFFFFE0C0  }
0xb0: {  	[tilespmem:s0], [sflag:$0x4] =	stream.indirect.gather [hbm4b:s7+s28], $0x40, s16, s28, $0xb8;
	[tilespmem:$0x1DD00] =	vst v63  }
0xb1: {  	_ =	swait.ge [sflag:s3], $0x1F40  }
0xb2: {  	p0 =	seq.s32 s13, $0x13000;
	[sflag:s3] =	ssyncset.done $0x0  }
.Ltmp3:
0xb3: {  	s16 =	sadd.s32 $0x5300, s14;
	[sflag:s3] =	ssyncadd.s32 $0xFFFFE0C0;
	(pc) =	sbr.rel @p0 .LBB2_6-.Ltmp3, $4  }
0xb4: {  	[spmem:s1] =	stream.indirect.scatter.add.f32 [tilespmem:s2], [sflag:$0x7], $0x40, s16, s28, $0xb8;
	[tilespmem:$0x1DD00] =	vst v63  }
0xb5: {  	_ =	swait.ge [sflag:s4], $0x1F40  }
0xb6: {  	[sflag:s4] =	ssyncset.done $0x0  }
0xb7: {  	s15 =	sadd.s32 $0x5380, s14;
	[sflag:s4] =	ssyncadd.s32 $0xFFFFE0C0  }
0xb8: {  	s16 =	sadd.s32 $0x400, s14  }
0xb9: {  	[tilespmem:s29], [sflag:$0x1] =	stream.indirect.gather [hbm4b:s7+s28], $0x40, s16, s28, $0xb8;
	[tilespmem:$0x1DD00] =	vst v63  }
0xba: {  	_ =	swait.ge [sflag:s5], $0x1F40  }
0xbb: {  	[sflag:s5] =	ssyncset.done $0x0  }
0xbc: {  	[sflag:s5] =	ssyncadd.s32 $0xFFFFE0C0  }
0xbd: {  	[spmem:s1] =	stream.indirect.scatter.add.f32 [tilespmem:s0], [sflag:$0x8], $0x40, s15, s28, $0xb8;
	[tilespmem:$0x1DD00] =	vst v63  }
.Ltmp4:
0xbe: {  	_ = 	snop;
	(pc) =	sbr.rel .LBB2_4-.Ltmp4, $4  }
0xbf: {  	_ =	swait.ge [sflag:s8], $0x1F40  }
0xc0: {  	[sflag:s8] =	ssyncset.done $0x0  }
0xc1: {  	s13 =	sadd.s32 $0x800, s13;
	s16 =	sadd.s32 $0x480, s14;
	[sflag:s8] =	ssyncadd.s32 $0xFFFFE0C0  }
0xc2: {  	[tilespmem:s31], [sflag:$0x2] =	stream.indirect.gather [hbm4b:s7+s28], $0x40, s16, s28, $0xb8;
	[tilespmem:$0x1DD00] =	vst v63  }
.LBB2_7:
0xc3: {  	_ =	sfence.sel $0x180000  }
0xc4: {  	[bflag:$0x0] =	sbarrier.arrive $0xFFFF  }
0xc5: {  	_ =	strace $0x90000047  }
0xc6: {  	s0 =	stileid.u32;
	[bflag:$0x2] =	sbarrier.arrive $0xFFFF  }
0xc7: {  	p0 =	sne.s32 s0, $0x0;
	s0 =	rddreg [dreg:$0x4]  }
0xc8: {  	s0 =	sadd.s32 @!p0 $0x100000, s0  }
0xc9: {  	[sflag:s0] =	ssyncadd.tile.s32 @!p0 $0x1;
	_ =	shalt  }
.Lfunc_end2:
_tile_overlayer_lowered:
.L_overlay_start_2:
0xca: {  	(tag) =	ssettag $0x2  }
0xcb: {  	s0 =	rddreg [dreg:$0x0];
	s2 =	stileid.u32  }
0xcc: {  	s1 =	rddreg [dreg:$0x1];
	p0 =	sne.s32 s2, $0x0  }
0xcd: {  	s3 =	rddreg [dreg:$0x2];
	[bflag:$0x3] =	sbarrier.arrive $0xFFFF;
	s2 =	simm.s32 @!p0 $0x1C09  }
0xce: {  	[timem:s3], [sflag:s2] =	dma.local @!p0 [hbm:s0], s1  }
0xcf: {  	s0 =	simm.s32 @!p0 $0x9  }
0xd0: {  	_ =	swait.ge @!p0 [sflag:s0], s1  }
0xd1: {  	s1 =	ssub.s32 @!p0 $0x0, s1;
	[sflag:s0] =	ssyncset.done @!p0 $0x0  }
0xd2: {  	[sflag:s0] =	ssyncadd.s32 @!p0 s1  }
0xd3: {  	[bflag:$0x3] =	sbarrier.arrive $0xFFFF  }
0xd4: {  	_ =	shalt  }

</sc_bundles>
